<compile_context>
chip_gen: v7x
topology: tpu7x:2x2x1
jax: 0.10.2.dev20260603
libtpu: 0.0.44.dev20260713+nightly
codegen_flags: <defaults>
</compile_context>

<pallas_src>
import functools

import jax
import jax.numpy as jnp
from jax import lax
from jax.experimental import pallas as pl
from jax.experimental.pallas import tpu as pltpu
from jax.experimental.pallas import tpu_sc as plsc

H = 32
H2 = H * H
D_EDGE = 16
EB = 6400
QB = EB // 4


def _node_mlp_body(x_ref, w1, b1, w2, b2, w3, b3, o_ref):
    h = jnp.maximum(jnp.dot(x_ref[...], w1[...],
                            preferred_element_type=jnp.float32) + b1[...], 0.0)
    h = jnp.maximum(jnp.dot(h, w2[...],
                            preferred_element_type=jnp.float32) + b2[...], 0.0)
    o_ref[...] = jnp.dot(h, w3[...],
                         preferred_element_type=jnp.float32) + b3[...]


def _node_mlp(x, p):
    n = x.shape[0]
    return pl.pallas_call(
        _node_mlp_body,
        out_shape=jax.ShapeDtypeStruct((n, H), jnp.float32),
    )(x, p['in_W1'], p['in_b1'].reshape(1, H),
      p['in_W2'], p['in_b2'].reshape(1, H),
      p['in_W3'], p['in_b3'].reshape(1, H))


def _edge_msg_body(ea_ref, xj_ref, w1, b1, w2, b2, w3, b3, s_ref, o_ref):
    xj4 = xj_ref[...]
    xj = jnp.concatenate([xj4[:, j * H:(j + 1) * H] for j in range(4)],
                         axis=0)
    e = jnp.maximum(jnp.dot(ea_ref[...], w1[...],
                            preferred_element_type=jnp.float32) + b1[...], 0.0)
    e = jnp.maximum(jnp.dot(e, w2[...],
                            preferred_element_type=jnp.float32) + b2[...], 0.0)
    we = jnp.dot(e.astype(jnp.bfloat16), w3[...],
                 preferred_element_type=jnp.float32).astype(jnp.bfloat16)
    xt = jnp.tile(xj.astype(jnp.bfloat16), (1, H))
    msg = jnp.dot(xt * we, s_ref[...],
                  preferred_element_type=jnp.float32) + jnp.dot(
        xj, b3[...], preferred_element_type=jnp.float32)
    o_ref[...] = jnp.concatenate(
        [msg[j * QB:(j + 1) * QB, :] for j in range(4)], axis=1)


def _edge_messages(edge_attr, xj, p):
    e_total, d_edge = edge_attr.shape
    eb = EB
    grid = e_total // eb
    cols = jnp.arange(H2, dtype=jnp.int32)
    perm = (cols % H) * H + cols // H
    w3p = p['e_W3'][:, perm].astype(jnp.bfloat16)
    b3mat = p['e_b3'].reshape(H, H)
    smat = (cols[:, None] // H == jnp.arange(H, dtype=jnp.int32)[None, :])
    smat = smat.astype(jnp.bfloat16)

    def bcast(shape):
        return pl.BlockSpec(shape, lambda i: (0,) * len(shape))

    msg4 = pl.pallas_call(
        _edge_msg_body,
        grid=(grid,),
        in_specs=[
            pl.BlockSpec((eb, d_edge), lambda i: (i, 0)),
            pl.BlockSpec((eb // 4, 128), lambda i: (i, 0)),
            bcast((d_edge, H)), bcast((1, H)),
            bcast((H, H)), bcast((1, H)),
            bcast((H, H2)), bcast((H, H)),
            bcast((H2, H)),
        ],
        out_specs=pl.BlockSpec((eb // 4, 128), lambda i: (i, 0)),
        out_shape=jax.ShapeDtypeStruct((e_total // 4, 128), jnp.float32),
    )(edge_attr, xj.reshape(e_total // 4, 128),
      p['e_W1'], p['e_b1'].reshape(1, H),
      p['e_W2'], p['e_b2'].reshape(1, H), w3p, b3mat, smat)
    return msg4.reshape(e_total, H)


def _gather_rows(table, idx):
    e_total = idx.shape[0]
    info = plsc.get_sparse_core_info()
    nc, ns = info.num_cores, info.num_subcores
    nw = nc * ns
    per_w = e_total // nw
    chunk = 1000
    n_chunks = per_w // chunk
    mesh = plsc.VectorSubcoreMesh(core_axis_name="c", subcore_axis_name="s")

    @functools.partial(
        pl.kernel, mesh=mesh,
        out_type=jax.ShapeDtypeStruct((e_total, H), jnp.float32),
        compiler_params=pltpu.CompilerParams(use_tc_tiling_on_sc=False),
        scratch_types=[
            pltpu.VMEM((chunk,), jnp.int32),
            pltpu.VMEM((chunk, H), jnp.float32),
            pltpu.SemaphoreType.DMA,
        ],
    )
    def k(table_hbm, idx_hbm, out_hbm, idx_v, rows_v, sem):
        wid = lax.axis_index("s") * nc + lax.axis_index("c")
        base = wid * per_w
        for j in range(n_chunks):
            off = base + j * chunk
            pltpu.sync_copy(idx_hbm.at[pl.ds(off, chunk)], idx_v)
            pltpu.async_copy(table_hbm.at[idx_v], rows_v, sem).wait()
            pltpu.sync_copy(rows_v, out_hbm.at[pl.ds(off, chunk)])

    return k(table, idx)


def _scatter_add(msg, dst, n_pad):
    e_total = msg.shape[0]
    info = plsc.get_sparse_core_info()
    nc, ns = info.num_cores, info.num_subcores
    nw = nc * ns
    per_w = e_total // nw
    chunk = 1000
    n_chunks = per_w // chunk
    rows_per_tile = n_pad // ns
    zeros = jnp.zeros((n_pad, H), jnp.float32)
    mesh = plsc.VectorSubcoreMesh(core_axis_name="c", subcore_axis_name="s")

    @functools.partial(
        pl.kernel, mesh=mesh,
        out_type=jax.ShapeDtypeStruct((nc, n_pad, H), jnp.float32),
        compiler_params=pltpu.CompilerParams(use_tc_tiling_on_sc=False),
        scratch_types=[
            pltpu.VMEM((chunk,), jnp.int32),
            pltpu.VMEM((chunk, H), jnp.float32),
            pltpu.VMEM((rows_per_tile, H), jnp.float32),
            pltpu.VMEM_SHARED((n_pad, H), jnp.float32),
        ],
    )
    def k(msg_hbm, dst_hbm, zero_hbm, out_hbm, idx_v, msg_v, bounce_v,
          accum_sh):
        cid = lax.axis_index("c")
        sid = lax.axis_index("s")
        wid = sid * nc + cid
        r0 = sid * rows_per_tile
        pltpu.sync_copy(zero_hbm.at[pl.ds(r0, rows_per_tile)], bounce_v)
        pltpu.sync_copy(bounce_v, accum_sh.at[pl.ds(r0, rows_per_tile)])
        plsc.subcore_barrier()
        base = wid * per_w
        for j in range(n_chunks):
            off = base + j * chunk
            pltpu.sync_copy(dst_hbm.at[pl.ds(off, chunk)], idx_v)
            pltpu.sync_copy(msg_hbm.at[pl.ds(off, chunk)], msg_v)
            pltpu.sync_copy(msg_v, accum_sh.at[idx_v], add=True)
        plsc.subcore_barrier()
        pltpu.sync_copy(accum_sh.at[pl.ds(r0, rows_per_tile)], bounce_v)
        pltpu.sync_copy(bounce_v, out_hbm.at[cid, pl.ds(r0, rows_per_tile)])

    return k(msg, dst, zeros)


def _gru_body(a0, a1, h_ref, root, cb, wr, br, wz, bz, wn, bn, bhn, o_ref):
    m = a0[...] + a1[...] + jnp.dot(
        h_ref[...], root[...], preferred_element_type=jnp.float32) + cb[...]
    r = jax.nn.sigmoid(jnp.dot(m, wr[...],
                               preferred_element_type=jnp.float32) + br[...])
    z = jax.nn.sigmoid(jnp.dot(m, wz[...],
                               preferred_element_type=jnp.float32) + bz[...])
    n = jnp.tanh(jnp.dot(m, wn[...], preferred_element_type=jnp.float32)
                 + bn[...] + r * bhn[...])
    o_ref[...] = (1.0 - z) * n


def _gru(agg0, agg1, h, p):
    n_nodes = h.shape[0]
    wi = p['gru_Wi']
    bi = p['gru_bi']
    bh = p['gru_bh']
    return pl.pallas_call(
        _gru_body,
        out_shape=jax.ShapeDtypeStruct((n_nodes, H), jnp.float32),
    )(agg0, agg1, h, p['root'], p['conv_bias'].reshape(1, H),
      wi[:, 0:H], (bi[0:H] + bh[0:H]).reshape(1, H),
      wi[:, H:2 * H], (bi[H:2 * H] + bh[H:2 * H]).reshape(1, H),
      wi[:, 2 * H:], bi[2 * H:].reshape(1, H), bh[2 * H:].reshape(1, H))


def kernel(x, edge_index, edge_attr, params):
    n_nodes = x.shape[0]
    n_pad = ((n_nodes + 1279) // 1280) * 1280
    e_total = edge_attr.shape[0]
    def _perm(ix):
        return ix.reshape(e_total // EB, 4, QB).transpose(0, 2, 1).reshape(-1)

    src = _perm(edge_index[0].astype(jnp.int32))
    dst = _perm(edge_index[1].astype(jnp.int32))

    h = _node_mlp(x, params)
    xj = _gather_rows(h, src)
    msg = _edge_messages(edge_attr, xj, params)
    parts = _scatter_add(msg, dst, n_pad)
    return _gru(parts[0, :n_nodes], parts[1, :n_nodes], h, params)

# --- scband reference (transcript-rebuilt; emitter-appended) ---
"""Pipeline reference for scband-mpnn-85341000171639 (READ-ONLY COPY).

The authoritative reference and input builder live on the scoring server;
editing this copy changes nothing except your own understanding.
"""

import jax, jax.numpy as jnp
import numpy as np

N = 10000
E = 160000
D_IN = 128
D_EDGE = 16
H = 32


def _glorot(k, shape):
    fan_in = shape[0]
    return (jax.random.normal(k, shape, dtype=jnp.float32) / np.sqrt(fan_in)).astype(jnp.float32)


def setup_inputs(seed: int = 0):
    key = jax.random.key(seed)
    ks = jax.random.split(key, 24)
    params = {
        'in_W1': _glorot(ks[0], (D_IN, H)), 'in_b1': jnp.zeros((H,), jnp.float32),
        'in_W2': _glorot(ks[1], (H, H)), 'in_b2': jnp.zeros((H,), jnp.float32),
        'in_W3': _glorot(ks[2], (H, H)), 'in_b3': jnp.zeros((H,), jnp.float32),
        'e_W1': _glorot(ks[3], (D_EDGE, H)), 'e_b1': jnp.zeros((H,), jnp.float32),
        'e_W2': _glorot(ks[4], (H, H)), 'e_b2': jnp.zeros((H,), jnp.float32),
        'e_W3': _glorot(ks[5], (H, H * H)), 'e_b3': jnp.zeros((H * H,), jnp.float32),
        'root': _glorot(ks[6], (H, H)),
        'conv_bias': jnp.zeros((H,), jnp.float32),
        'gru_Wi': _glorot(ks[7], (H, 3 * H)), 'gru_bi': jnp.zeros((3 * H,), jnp.float32),
        'gru_Wh': _glorot(ks[8], (H, 3 * H)), 'gru_bh': jnp.zeros((3 * H,), jnp.float32),
    }
    x = jax.random.normal(ks[20], (N, D_IN), dtype=jnp.float32)
    edge_index = jax.random.randint(ks[21], (2, E), 0, N, dtype=jnp.int64) if jax.config.jax_enable_x64 else jax.random.randint(ks[21], (2, E), 0, N, dtype=jnp.int32)
    edge_attr = jax.random.normal(ks[22], (E, D_EDGE), dtype=jnp.float32)
    return {'x': x, 'edge_index': edge_index, 'edge_attr': edge_attr, 'params': params}


def _forward(x, edge_attr, params, edge_index):
    p = params
    # mlp_in: Linear -> ReLU -> Linear -> ReLU -> Linear
    h = jax.nn.relu(x @ p['in_W1'] + p['in_b1'])
    h = jax.nn.relu(h @ p['in_W2'] + p['in_b2'])
    h = h @ p['in_W3'] + p['in_b3']
    src = edge_index[0]
    dst = edge_index[1]
    # NNConv layer (num_layers=1): per-edge weight matrix from edge MLP
    e = jax.nn.relu(edge_attr @ p['e_W1'] + p['e_b1'])
    e = jax.nn.relu(e @ p['e_W2'] + p['e_b2'])
    We = (e @ p['e_W3'] + p['e_b3']).reshape(-1, H, H)
    xj = h[src]  # gather source node features per edge
    msg = jnp.einsum('ed,edo->eo', xj, We)  # per-edge matmul
    agg = jax.ops.segment_sum(msg, dst, num_segments=x.shape[0])  # scatter-add to dst
    m_v = agg + h @ p['root'] + p['conv_bias']
    # GRU (1 layer, seq_len=1, batch=N nodes, h0=zeros)
    hprev = jnp.zeros((x.shape[0], H), dtype=x.dtype)
    gi = m_v @ p['gru_Wi'] + p['gru_bi']
    gh = hprev @ p['gru_Wh'] + p['gru_bh']
    i_r, i_z, i_n = jnp.split(gi, 3, axis=1)
    h_r, h_z, h_n = jnp.split(gh, 3, axis=1)
    r = jax.nn.sigmoid(i_r + h_r)
    z = jax.nn.sigmoid(i_z + h_z)
    n = jnp.tanh(i_n + r * h_n)
    hout = (1.0 - z) * n + z * hprev
    return hout


def reference(x, edge_index, edge_attr, params):
    return _forward(x, edge_attr, params, edge_index)

if __name__ == "__main__":
    import jax
    _d = setup_inputs()
    print(jax.jit(kernel)(*tuple(_d.values())))

</pallas_src>

<mosaic_0001>
#map = affine_map<(d0, d1) -> (0, 0)>
#map1 = affine_map<(d0, d1) -> (0)>
module attributes {stable_mosaic.version = 14 : i64} {
  func.func @k(%arg0: i32, %arg1: i32, %arg2: memref<10000x32xf32, #tpu.memory_space<hbm>>, %arg3: memref<160000xi32, #tpu.memory_space<hbm>>, %arg4: memref<160000x32xf32, #tpu.memory_space<hbm>>, %arg5: memref<1000xi32, #tpu.memory_space<vmem>>, %arg6: memref<1000x32xf32, #tpu.memory_space<vmem>>, %arg7: memref<!tpu.dma_semaphore, #tpu.memory_space<semaphore_mem>>) attributes {dimension_semantics = [#tpu.dimension_semantics<core_parallel>, #tpu.dimension_semantics<subcore_parallel>], iteration_bounds = array<i64: 2, 16>, scalar_prefetch = 0 : i64, scratch_operands = 3 : i64, tpu.core_type = #tpu.core_type<sc_vector_subcore>, window_params = [{transform_indices = #map}, {transform_indices = #map1}, {transform_indices = #map}]} {
    %mul3A = arith.constant 2 : i32
    %mul3A_0 = arith.muli %arg1, %mul3A : i32
    %add3A = arith.addi %mul3A_0, %arg0 : i32
    %mul3A_1 = arith.constant 5000 : i32
    %mul3A_2 = arith.muli %add3A, %mul3A_1 : i32
    %add3A_3 = arith.constant 0 : i32
    %add3A_4 = arith.addi %mul3A_2, %add3A_3 : i32
    "tpu.region"() ({
      %run_scoped3A = tpu.sem_alloc : memref<!tpu.dma_semaphore, #tpu.memory_space<semaphore_mem>>
      %dma_start3A_41 = tpu.memref_slice %arg3[%add3A_4] : memref<160000xi32, #tpu.memory_space<hbm>> -> memref<1000xi32, #tpu.memory_space<hbm>>
      %dma_start3A_42 = tpu.memref_slice %arg3[%add3A_4] : memref<160000xi32, #tpu.memory_space<hbm>> -> memref<1000xi32, #tpu.memory_space<hbm>>
      tpu.enqueue_dma source(%dma_start3A_42 : memref<1000xi32, #tpu.memory_space<hbm>>) target(%arg5 : memref<1000xi32, #tpu.memory_space<vmem>>) target_semaphore(%run_scoped3A : memref<!tpu.dma_semaphore, #tpu.memory_space<semaphore_mem>>)
      %dma_wait3A_43 = tpu.memref_slice %arg3[%add3A_4] : memref<160000xi32, #tpu.memory_space<hbm>> -> memref<1000xi32, #tpu.memory_space<hbm>>
      %dma_wait3A_44 = tpu.memref_slice %arg3[%add3A_4] : memref<160000xi32, #tpu.memory_space<hbm>> -> memref<1000xi32, #tpu.memory_space<hbm>>
      tpu.wait_dma2 semaphore(%run_scoped3A : memref<!tpu.dma_semaphore, #tpu.memory_space<semaphore_mem>>) src(%dma_wait3A_44 : memref<1000xi32, #tpu.memory_space<hbm>>) dst(%arg5 : memref<1000xi32, #tpu.memory_space<vmem>>)
      tpu.yield
    }) : () -> ()
    %dma_start3A = arith.constant 0 : i32
    %dma_start3A_5 = arith.constant 0 : i32
    %dma_start3A_6 = tpu.memref_slice %arg2[%dma_start3A, %dma_start3A_5] : memref<10000x32xf32, #tpu.memory_space<hbm>> -> memref<10000x32xf32, #tpu.memory_space<hbm>>
    tpu.enqueue_indirect_dma source(%dma_start3A_6 : memref<10000x32xf32, #tpu.memory_space<hbm>>) target(%arg6 : memref<1000x32xf32, #tpu.memory_space<vmem>>) offsets(%arg5 : memref<1000xi32, #tpu.memory_space<vmem>>) semaphore(%arg7 : memref<!tpu.dma_semaphore, #tpu.memory_space<semaphore_mem>>)
    %dma_wait3A = arith.constant 0 : i32
    %dma_wait3A_7 = arith.constant 0 : i32
    %dma_wait3A_8 = tpu.memref_slice %arg2[%dma_wait3A, %dma_wait3A_7] : memref<10000x32xf32, #tpu.memory_space<hbm>> -> memref<10000x32xf32, #tpu.memory_space<hbm>>
    tpu.wait_indirect_dma semaphore(%arg7 : memref<!tpu.dma_semaphore, #tpu.memory_space<semaphore_mem>>) src(%dma_wait3A_8 : memref<10000x32xf32, #tpu.memory_space<hbm>>) dst(%arg6 : memref<1000x32xf32, #tpu.memory_space<vmem>>)
    "tpu.region"() ({
      %run_scoped3A = tpu.sem_alloc : memref<!tpu.dma_semaphore, #tpu.memory_space<semaphore_mem>>
      %dma_start3A_41 = arith.constant 0 : i32
      %dma_start3A_42 = tpu.memref_slice %arg4[%add3A_4, %dma_start3A_41] : memref<160000x32xf32, #tpu.memory_space<hbm>> -> memref<1000x32xf32, #tpu.memory_space<hbm>>
      %dma_start3A_43 = arith.constant 0 : i32
      %dma_start3A_44 = tpu.memref_slice %arg4[%add3A_4, %dma_start3A_43] : memref<160000x32xf32, #tpu.memory_space<hbm>> -> memref<1000x32xf32, #tpu.memory_space<hbm>>
      tpu.enqueue_dma source(%arg6 : memref<1000x32xf32, #tpu.memory_space<vmem>>) target(%dma_start3A_44 : memref<1000x32xf32, #tpu.memory_space<hbm>>) target_semaphore(%run_scoped3A : memref<!tpu.dma_semaphore, #tpu.memory_space<semaphore_mem>>)
      %dma_wait3A_45 = arith.constant 0 : i32
      %dma_wait3A_46 = tpu.memref_slice %arg4[%add3A_4, %dma_wait3A_45] : memref<160000x32xf32, #tpu.memory_space<hbm>> -> memref<1000x32xf32, #tpu.memory_space<hbm>>
      %dma_wait3A_47 = arith.constant 0 : i32
      %dma_wait3A_48 = tpu.memref_slice %arg4[%add3A_4, %dma_wait3A_47] : memref<160000x32xf32, #tpu.memory_space<hbm>> -> memref<1000x32xf32, #tpu.memory_space<hbm>>
      tpu.wait_dma2 semaphore(%run_scoped3A : memref<!tpu.dma_semaphore, #tpu.memory_space<semaphore_mem>>) src(%arg6 : memref<1000x32xf32, #tpu.memory_space<vmem>>) dst(%dma_wait3A_48 : memref<1000x32xf32, #tpu.memory_space<hbm>>)
      tpu.yield
    }) : () -> ()
    %add3A_9 = arith.constant 1000 : i32
    %add3A_10 = arith.addi %mul3A_2, %add3A_9 : i32
    "tpu.region"() ({
      %run_scoped3A = tpu.sem_alloc : memref<!tpu.dma_semaphore, #tpu.memory_space<semaphore_mem>>
      %dma_start3A_41 = tpu.memref_slice %arg3[%add3A_10] : memref<160000xi32, #tpu.memory_space<hbm>> -> memref<1000xi32, #tpu.memory_space<hbm>>
      %dma_start3A_42 = tpu.memref_slice %arg3[%add3A_10] : memref<160000xi32, #tpu.memory_space<hbm>> -> memref<1000xi32, #tpu.memory_space<hbm>>
      tpu.enqueue_dma source(%dma_start3A_42 : memref<1000xi32, #tpu.memory_space<hbm>>) target(%arg5 : memref<1000xi32, #tpu.memory_space<vmem>>) target_semaphore(%run_scoped3A : memref<!tpu.dma_semaphore, #tpu.memory_space<semaphore_mem>>)
      %dma_wait3A_43 = tpu.memref_slice %arg3[%add3A_10] : memref<160000xi32, #tpu.memory_space<hbm>> -> memref<1000xi32, #tpu.memory_space<hbm>>
      %dma_wait3A_44 = tpu.memref_slice %arg3[%add3A_10] : memref<160000xi32, #tpu.memory_space<hbm>> -> memref<1000xi32, #tpu.memory_space<hbm>>
      tpu.wait_dma2 semaphore(%run_scoped3A : memref<!tpu.dma_semaphore, #tpu.memory_space<semaphore_mem>>) src(%dma_wait3A_44 : memref<1000xi32, #tpu.memory_space<hbm>>) dst(%arg5 : memref<1000xi32, #tpu.memory_space<vmem>>)
      tpu.yield
    }) : () -> ()
    %dma_start3A_11 = arith.constant 0 : i32
    %dma_start3A_12 = arith.constant 0 : i32
    %dma_start3A_13 = tpu.memref_slice %arg2[%dma_start3A_11, %dma_start3A_12] : memref<10000x32xf32, #tpu.memory_space<hbm>> -> memref<10000x32xf32, #tpu.memory_space<hbm>>
    tpu.enqueue_indirect_dma source(%dma_start3A_13 : memref<10000x32xf32, #tpu.memory_space<hbm>>) target(%arg6 : memref<1000x32xf32, #tpu.memory_space<vmem>>) offsets(%arg5 : memref<1000xi32, #tpu.memory_space<vmem>>) semaphore(%arg7 : memref<!tpu.dma_semaphore, #tpu.memory_space<semaphore_mem>>)
    %dma_wait3A_14 = arith.constant 0 : i32
    %dma_wait3A_15 = arith.constant 0 : i32
    %dma_wait3A_16 = tpu.memref_slice %arg2[%dma_wait3A_14, %dma_wait3A_15] : memref<10000x32xf32, #tpu.memory_space<hbm>> -> memref<10000x32xf32, #tpu.memory_space<hbm>>
    tpu.wait_indirect_dma semaphore(%arg7 : memref<!tpu.dma_semaphore, #tpu.memory_space<semaphore_mem>>) src(%dma_wait3A_16 : memref<10000x32xf32, #tpu.memory_space<hbm>>) dst(%arg6 : memref<1000x32xf32, #tpu.memory_space<vmem>>)
    "tpu.region"() ({
      %run_scoped3A = tpu.sem_alloc : memref<!tpu.dma_semaphore, #tpu.memory_space<semaphore_mem>>
      %dma_start3A_41 = arith.constant 0 : i32
      %dma_start3A_42 = tpu.memref_slice %arg4[%add3A_10, %dma_start3A_41] : memref<160000x32xf32, #tpu.memory_space<hbm>> -> memref<1000x32xf32, #tpu.memory_space<hbm>>
      %dma_start3A_43 = arith.constant 0 : i32
      %dma_start3A_44 = tpu.memref_slice %arg4[%add3A_10, %dma_start3A_43] : memref<160000x32xf32, #tpu.memory_space<hbm>> -> memref<1000x32xf32, #tpu.memory_space<hbm>>
      tpu.enqueue_dma source(%arg6 : memref<1000x32xf32, #tpu.memory_space<vmem>>) target(%dma_start3A_44 : memref<1000x32xf32, #tpu.memory_space<hbm>>) target_semaphore(%run_scoped3A : memref<!tpu.dma_semaphore, #tpu.memory_space<semaphore_mem>>)
      %dma_wait3A_45 = arith.constant 0 : i32
      %dma_wait3A_46 = tpu.memref_slice %arg4[%add3A_10, %dma_wait3A_45] : memref<160000x32xf32, #tpu.memory_space<hbm>> -> memref<1000x32xf32, #tpu.memory_space<hbm>>
      %dma_wait3A_47 = arith.constant 0 : i32
      %dma_wait3A_48 = tpu.memref_slice %arg4[%add3A_10, %dma_wait3A_47] : memref<160000x32xf32, #tpu.memory_space<hbm>> -> memref<1000x32xf32, #tpu.memory_space<hbm>>
      tpu.wait_dma2 semaphore(%run_scoped3A : memref<!tpu.dma_semaphore, #tpu.memory_space<semaphore_mem>>) src(%arg6 : memref<1000x32xf32, #tpu.memory_space<vmem>>) dst(%dma_wait3A_48 : memref<1000x32xf32, #tpu.memory_space<hbm>>)
      tpu.yield
    }) : () -> ()
    %add3A_17 = arith.constant 2000 : i32
    %add3A_18 = arith.addi %mul3A_2, %add3A_17 : i32
    "tpu.region"() ({
      %run_scoped3A = tpu.sem_alloc : memref<!tpu.dma_semaphore, #tpu.memory_space<semaphore_mem>>
      %dma_start3A_41 = tpu.memref_slice %arg3[%add3A_18] : memref<160000xi32, #tpu.memory_space<hbm>> -> memref<1000xi32, #tpu.memory_space<hbm>>
      %dma_start3A_42 = tpu.memref_slice %arg3[%add3A_18] : memref<160000xi32, #tpu.memory_space<hbm>> -> memref<1000xi32, #tpu.memory_space<hbm>>
      tpu.enqueue_dma source(%dma_start3A_42 : memref<1000xi32, #tpu.memory_space<hbm>>) target(%arg5 : memref<1000xi32, #tpu.memory_space<vmem>>) target_semaphore(%run_scoped3A : memref<!tpu.dma_semaphore, #tpu.memory_space<semaphore_mem>>)
      %dma_wait3A_43 = tpu.memref_slice %arg3[%add3A_18] : memref<160000xi32, #tpu.memory_space<hbm>> -> memref<1000xi32, #tpu.memory_space<hbm>>
      %dma_wait3A_44 = tpu.memref_slice %arg3[%add3A_18] : memref<160000xi32, #tpu.memory_space<hbm>> -> memref<1000xi32, #tpu.memory_space<hbm>>
      tpu.wait_dma2 semaphore(%run_scoped3A : memref<!tpu.dma_semaphore, #tpu.memory_space<semaphore_mem>>) src(%dma_wait3A_44 : memref<1000xi32, #tpu.memory_space<hbm>>) dst(%arg5 : memref<1000xi32, #tpu.memory_space<vmem>>)
      tpu.yield
    }) : () -> ()
    %dma_start3A_19 = arith.constant 0 : i32
    %dma_start3A_20 = arith.constant 0 : i32
    %dma_start3A_21 = tpu.memref_slice %arg2[%dma_start3A_19, %dma_start3A_20] : memref<10000x32xf32, #tpu.memory_space<hbm>> -> memref<10000x32xf32, #tpu.memory_space<hbm>>
    tpu.enqueue_indirect_dma source(%dma_start3A_21 : memref<10000x32xf32, #tpu.memory_space<hbm>>) target(%arg6 : memref<1000x32xf32, #tpu.memory_space<vmem>>) offsets(%arg5 : memref<1000xi32, #tpu.memory_space<vmem>>) semaphore(%arg7 : memref<!tpu.dma_semaphore, #tpu.memory_space<semaphore_mem>>)
    %dma_wait3A_22 = arith.constant 0 : i32
    %dma_wait3A_23 = arith.constant 0 : i32
    %dma_wait3A_24 = tpu.memref_slice %arg2[%dma_wait3A_22, %dma_wait3A_23] : memref<10000x32xf32, #tpu.memory_space<hbm>> -> memref<10000x32xf32, #tpu.memory_space<hbm>>
    tpu.wait_indirect_dma semaphore(%arg7 : memref<!tpu.dma_semaphore, #tpu.memory_space<semaphore_mem>>) src(%dma_wait3A_24 : memref<10000x32xf32, #tpu.memory_space<hbm>>) dst(%arg6 : memref<1000x32xf32, #tpu.memory_space<vmem>>)
    "tpu.region"() ({
      %run_scoped3A = tpu.sem_alloc : memref<!tpu.dma_semaphore, #tpu.memory_space<semaphore_mem>>
      %dma_start3A_41 = arith.constant 0 : i32
      %dma_start3A_42 = tpu.memref_slice %arg4[%add3A_18, %dma_start3A_41] : memref<160000x32xf32, #tpu.memory_space<hbm>> -> memref<1000x32xf32, #tpu.memory_space<hbm>>
      %dma_start3A_43 = arith.constant 0 : i32
      %dma_start3A_44 = tpu.memref_slice %arg4[%add3A_18, %dma_start3A_43] : memref<160000x32xf32, #tpu.memory_space<hbm>> -> memref<1000x32xf32, #tpu.memory_space<hbm>>
      tpu.enqueue_dma source(%arg6 : memref<1000x32xf32, #tpu.memory_space<vmem>>) target(%dma_start3A_44 : memref<1000x32xf32, #tpu.memory_space<hbm>>) target_semaphore(%run_scoped3A : memref<!tpu.dma_semaphore, #tpu.memory_space<semaphore_mem>>)
      %dma_wait3A_45 = arith.constant 0 : i32
      %dma_wait3A_46 = tpu.memref_slice %arg4[%add3A_18, %dma_wait3A_45] : memref<160000x32xf32, #tpu.memory_space<hbm>> -> memref<1000x32xf32, #tpu.memory_space<hbm>>
      %dma_wait3A_47 = arith.constant 0 : i32
      %dma_wait3A_48 = tpu.memref_slice %arg4[%add3A_18, %dma_wait3A_47] : memref<160000x32xf32, #tpu.memory_space<hbm>> -> memref<1000x32xf32, #tpu.memory_space<hbm>>
      tpu.wait_dma2 semaphore(%run_scoped3A : memref<!tpu.dma_semaphore, #tpu.memory_space<semaphore_mem>>) src(%arg6 : memref<1000x32xf32, #tpu.memory_space<vmem>>) dst(%dma_wait3A_48 : memref<1000x32xf32, #tpu.memory_space<hbm>>)
      tpu.yield
    }) : () -> ()
    %add3A_25 = arith.constant 3000 : i32
    %add3A_26 = arith.addi %mul3A_2, %add3A_25 : i32
    "tpu.region"() ({
      %run_scoped3A = tpu.sem_alloc : memref<!tpu.dma_semaphore, #tpu.memory_space<semaphore_mem>>
      %dma_start3A_41 = tpu.memref_slice %arg3[%add3A_26] : memref<160000xi32, #tpu.memory_space<hbm>> -> memref<1000xi32, #tpu.memory_space<hbm>>
      %dma_start3A_42 = tpu.memref_slice %arg3[%add3A_26] : memref<160000xi32, #tpu.memory_space<hbm>> -> memref<1000xi32, #tpu.memory_space<hbm>>
      tpu.enqueue_dma source(%dma_start3A_42 : memref<1000xi32, #tpu.memory_space<hbm>>) target(%arg5 : memref<1000xi32, #tpu.memory_space<vmem>>) target_semaphore(%run_scoped3A : memref<!tpu.dma_semaphore, #tpu.memory_space<semaphore_mem>>)
      %dma_wait3A_43 = tpu.memref_slice %arg3[%add3A_26] : memref<160000xi32, #tpu.memory_space<hbm>> -> memref<1000xi32, #tpu.memory_space<hbm>>
      %dma_wait3A_44 = tpu.memref_slice %arg3[%add3A_26] : memref<160000xi32, #tpu.memory_space<hbm>> -> memref<1000xi32, #tpu.memory_space<hbm>>
      tpu.wait_dma2 semaphore(%run_scoped3A : memref<!tpu.dma_semaphore, #tpu.memory_space<semaphore_mem>>) src(%dma_wait3A_44 : memref<1000xi32, #tpu.memory_space<hbm>>) dst(%arg5 : memref<1000xi32, #tpu.memory_space<vmem>>)
      tpu.yield
    }) : () -> ()
    %dma_start3A_27 = arith.constant 0 : i32
    %dma_start3A_28 = arith.constant 0 : i32
    %dma_start3A_29 = tpu.memref_slice %arg2[%dma_start3A_27, %dma_start3A_28] : memref<10000x32xf32, #tpu.memory_space<hbm>> -> memref<10000x32xf32, #tpu.memory_space<hbm>>
    tpu.enqueue_indirect_dma source(%dma_start3A_29 : memref<10000x32xf32, #tpu.memory_space<hbm>>) target(%arg6 : memref<1000x32xf32, #tpu.memory_space<vmem>>) offsets(%arg5 : memref<1000xi32, #tpu.memory_space<vmem>>) semaphore(%arg7 : memref<!tpu.dma_semaphore, #tpu.memory_space<semaphore_mem>>)
    %dma_wait3A_30 = arith.constant 0 : i32
    %dma_wait3A_31 = arith.constant 0 : i32
    %dma_wait3A_32 = tpu.memref_slice %arg2[%dma_wait3A_30, %dma_wait3A_31] : memref<10000x32xf32, #tpu.memory_space<hbm>> -> memref<10000x32xf32, #tpu.memory_space<hbm>>
    tpu.wait_indirect_dma semaphore(%arg7 : memref<!tpu.dma_semaphore, #tpu.memory_space<semaphore_mem>>) src(%dma_wait3A_32 : memref<10000x32xf32, #tpu.memory_space<hbm>>) dst(%arg6 : memref<1000x32xf32, #tpu.memory_space<vmem>>)
    "tpu.region"() ({
      %run_scoped3A = tpu.sem_alloc : memref<!tpu.dma_semaphore, #tpu.memory_space<semaphore_mem>>
      %dma_start3A_41 = arith.constant 0 : i32
      %dma_start3A_42 = tpu.memref_slice %arg4[%add3A_26, %dma_start3A_41] : memref<160000x32xf32, #tpu.memory_space<hbm>> -> memref<1000x32xf32, #tpu.memory_space<hbm>>
      %dma_start3A_43 = arith.constant 0 : i32
      %dma_start3A_44 = tpu.memref_slice %arg4[%add3A_26, %dma_start3A_43] : memref<160000x32xf32, #tpu.memory_space<hbm>> -> memref<1000x32xf32, #tpu.memory_space<hbm>>
      tpu.enqueue_dma source(%arg6 : memref<1000x32xf32, #tpu.memory_space<vmem>>) target(%dma_start3A_44 : memref<1000x32xf32, #tpu.memory_space<hbm>>) target_semaphore(%run_scoped3A : memref<!tpu.dma_semaphore, #tpu.memory_space<semaphore_mem>>)
      %dma_wait3A_45 = arith.constant 0 : i32
      %dma_wait3A_46 = tpu.memref_slice %arg4[%add3A_26, %dma_wait3A_45] : memref<160000x32xf32, #tpu.memory_space<hbm>> -> memref<1000x32xf32, #tpu.memory_space<hbm>>
      %dma_wait3A_47 = arith.constant 0 : i32
      %dma_wait3A_48 = tpu.memref_slice %arg4[%add3A_26, %dma_wait3A_47] : memref<160000x32xf32, #tpu.memory_space<hbm>> -> memref<1000x32xf32, #tpu.memory_space<hbm>>
      tpu.wait_dma2 semaphore(%run_scoped3A : memref<!tpu.dma_semaphore, #tpu.memory_space<semaphore_mem>>) src(%arg6 : memref<1000x32xf32, #tpu.memory_space<vmem>>) dst(%dma_wait3A_48 : memref<1000x32xf32, #tpu.memory_space<hbm>>)
      tpu.yield
    }) : () -> ()
    %add3A_33 = arith.constant 4000 : i32
    %add3A_34 = arith.addi %mul3A_2, %add3A_33 : i32
    "tpu.region"() ({
      %run_scoped3A = tpu.sem_alloc : memref<!tpu.dma_semaphore, #tpu.memory_space<semaphore_mem>>
      %dma_start3A_41 = tpu.memref_slice %arg3[%add3A_34] : memref<160000xi32, #tpu.memory_space<hbm>> -> memref<1000xi32, #tpu.memory_space<hbm>>
      %dma_start3A_42 = tpu.memref_slice %arg3[%add3A_34] : memref<160000xi32, #tpu.memory_space<hbm>> -> memref<1000xi32, #tpu.memory_space<hbm>>
      tpu.enqueue_dma source(%dma_start3A_42 : memref<1000xi32, #tpu.memory_space<hbm>>) target(%arg5 : memref<1000xi32, #tpu.memory_space<vmem>>) target_semaphore(%run_scoped3A : memref<!tpu.dma_semaphore, #tpu.memory_space<semaphore_mem>>)
      %dma_wait3A_43 = tpu.memref_slice %arg3[%add3A_34] : memref<160000xi32, #tpu.memory_space<hbm>> -> memref<1000xi32, #tpu.memory_space<hbm>>
      %dma_wait3A_44 = tpu.memref_slice %arg3[%add3A_34] : memref<160000xi32, #tpu.memory_space<hbm>> -> memref<1000xi32, #tpu.memory_space<hbm>>
      tpu.wait_dma2 semaphore(%run_scoped3A : memref<!tpu.dma_semaphore, #tpu.memory_space<semaphore_mem>>) src(%dma_wait3A_44 : memref<1000xi32, #tpu.memory_space<hbm>>) dst(%arg5 : memref<1000xi32, #tpu.memory_space<vmem>>)
      tpu.yield
    }) : () -> ()
    %dma_start3A_35 = arith.constant 0 : i32
    %dma_start3A_36 = arith.constant 0 : i32
    %dma_start3A_37 = tpu.memref_slice %arg2[%dma_start3A_35, %dma_start3A_36] : memref<10000x32xf32, #tpu.memory_space<hbm>> -> memref<10000x32xf32, #tpu.memory_space<hbm>>
    tpu.enqueue_indirect_dma source(%dma_start3A_37 : memref<10000x32xf32, #tpu.memory_space<hbm>>) target(%arg6 : memref<1000x32xf32, #tpu.memory_space<vmem>>) offsets(%arg5 : memref<1000xi32, #tpu.memory_space<vmem>>) semaphore(%arg7 : memref<!tpu.dma_semaphore, #tpu.memory_space<semaphore_mem>>)
    %dma_wait3A_38 = arith.constant 0 : i32
    %dma_wait3A_39 = arith.constant 0 : i32
    %dma_wait3A_40 = tpu.memref_slice %arg2[%dma_wait3A_38, %dma_wait3A_39] : memref<10000x32xf32, #tpu.memory_space<hbm>> -> memref<10000x32xf32, #tpu.memory_space<hbm>>
    tpu.wait_indirect_dma semaphore(%arg7 : memref<!tpu.dma_semaphore, #tpu.memory_space<semaphore_mem>>) src(%dma_wait3A_40 : memref<10000x32xf32, #tpu.memory_space<hbm>>) dst(%arg6 : memref<1000x32xf32, #tpu.memory_space<vmem>>)
    "tpu.region"() ({
      %run_scoped3A = tpu.sem_alloc : memref<!tpu.dma_semaphore, #tpu.memory_space<semaphore_mem>>
      %dma_start3A_41 = arith.constant 0 : i32
      %dma_start3A_42 = tpu.memref_slice %arg4[%add3A_34, %dma_start3A_41] : memref<160000x32xf32, #tpu.memory_space<hbm>> -> memref<1000x32xf32, #tpu.memory_space<hbm>>
      %dma_start3A_43 = arith.constant 0 : i32
      %dma_start3A_44 = tpu.memref_slice %arg4[%add3A_34, %dma_start3A_43] : memref<160000x32xf32, #tpu.memory_space<hbm>> -> memref<1000x32xf32, #tpu.memory_space<hbm>>
      tpu.enqueue_dma source(%arg6 : memref<1000x32xf32, #tpu.memory_space<vmem>>) target(%dma_start3A_44 : memref<1000x32xf32, #tpu.memory_space<hbm>>) target_semaphore(%run_scoped3A : memref<!tpu.dma_semaphore, #tpu.memory_space<semaphore_mem>>)
      %dma_wait3A_45 = arith.constant 0 : i32
      %dma_wait3A_46 = tpu.memref_slice %arg4[%add3A_34, %dma_wait3A_45] : memref<160000x32xf32, #tpu.memory_space<hbm>> -> memref<1000x32xf32, #tpu.memory_space<hbm>>
      %dma_wait3A_47 = arith.constant 0 : i32
      %dma_wait3A_48 = tpu.memref_slice %arg4[%add3A_34, %dma_wait3A_47] : memref<160000x32xf32, #tpu.memory_space<hbm>> -> memref<1000x32xf32, #tpu.memory_space<hbm>>
      tpu.wait_dma2 semaphore(%run_scoped3A : memref<!tpu.dma_semaphore, #tpu.memory_space<semaphore_mem>>) src(%arg6 : memref<1000x32xf32, #tpu.memory_space<vmem>>) dst(%dma_wait3A_48 : memref<1000x32xf32, #tpu.memory_space<hbm>>)
      tpu.yield
    }) : () -> ()
    return
  }
}

#map = affine_map<(d0, d1) -> (0, 0)>
#map1 = affine_map<(d0, d1) -> (0)>
#map2 = affine_map<(d0, d1) -> (0, 0, 0)>
module attributes {stable_mosaic.version = 14 : i64} {
  func.func @k(%arg0: i32, %arg1: i32, %arg2: memref<160000x32xf32, #tpu.memory_space<hbm>>, %arg3: memref<160000xi32, #tpu.memory_space<hbm>>, %arg4: memref<10240x32xf32, #tpu.memory_space<hbm>>, %arg5: memref<2x10240x32xf32, #tpu.memory_space<hbm>>, %arg6: memref<1000xi32, #tpu.memory_space<vmem>>, %arg7: memref<1000x32xf32, #tpu.memory_space<vmem>>, %arg8: memref<640x32xf32, #tpu.memory_space<vmem>>, %arg9: memref<10240x32xf32, #tpu.memory_space<vmem_shared>>) attributes {dimension_semantics = [#tpu.dimension_semantics<core_parallel>, #tpu.dimension_semantics<subcore_parallel>], iteration_bounds = array<i64: 2, 16>, scalar_prefetch = 0 : i64, scratch_operands = 4 : i64, tpu.core_type = #tpu.core_type<sc_vector_subcore>, window_params = [{transform_indices = #map}, {transform_indices = #map1}, {transform_indices = #map}, {transform_indices = #map2}]} {
    %mul3A = arith.constant 2 : i32
    %mul3A_0 = arith.muli %arg1, %mul3A : i32
    %add3A = arith.addi %mul3A_0, %arg0 : i32
    %mul3A_1 = arith.constant 640 : i32
    %mul3A_2 = arith.muli %arg1, %mul3A_1 : i32
    "tpu.region"() ({
      %run_scoped3A = tpu.sem_alloc : memref<!tpu.dma_semaphore, #tpu.memory_space<semaphore_mem>>
      %dma_start3A = arith.constant 0 : i32
      %dma_start3A_16 = tpu.memref_slice %arg4[%mul3A_2, %dma_start3A] : memref<10240x32xf32, #tpu.memory_space<hbm>> -> memref<640x32xf32, #tpu.memory_space<hbm>>
      %dma_start3A_17 = arith.constant 0 : i32
      %dma_start3A_18 = tpu.memref_slice %arg4[%mul3A_2, %dma_start3A_17] : memref<10240x32xf32, #tpu.memory_space<hbm>> -> memref<640x32xf32, #tpu.memory_space<hbm>>
      tpu.enqueue_dma source(%dma_start3A_18 : memref<640x32xf32, #tpu.memory_space<hbm>>) target(%arg8 : memref<640x32xf32, #tpu.memory_space<vmem>>) target_semaphore(%run_scoped3A : memref<!tpu.dma_semaphore, #tpu.memory_space<semaphore_mem>>)
      %dma_wait3A = arith.constant 0 : i32
      %dma_wait3A_19 = tpu.memref_slice %arg4[%mul3A_2, %dma_wait3A] : memref<10240x32xf32, #tpu.memory_space<hbm>> -> memref<640x32xf32, #tpu.memory_space<hbm>>
      %dma_wait3A_20 = arith.constant 0 : i32
      %dma_wait3A_21 = tpu.memref_slice %arg4[%mul3A_2, %dma_wait3A_20] : memref<10240x32xf32, #tpu.memory_space<hbm>> -> memref<640x32xf32, #tpu.memory_space<hbm>>
      tpu.wait_dma2 semaphore(%run_scoped3A : memref<!tpu.dma_semaphore, #tpu.memory_space<semaphore_mem>>) src(%dma_wait3A_21 : memref<640x32xf32, #tpu.memory_space<hbm>>) dst(%arg8 : memref<640x32xf32, #tpu.memory_space<vmem>>)
      tpu.yield
    }) : () -> ()
    "tpu.region"() ({
      %run_scoped3A = tpu.sem_alloc : memref<!tpu.dma_semaphore, #tpu.memory_space<semaphore_mem>>
      %dma_start3A = arith.constant 0 : i32
      %dma_start3A_16 = tpu.memref_slice %arg9[%mul3A_2, %dma_start3A] : memref<10240x32xf32, #tpu.memory_space<vmem_shared>> -> memref<640x32xf32, #tpu.memory_space<vmem_shared>>
      %dma_start3A_17 = arith.constant 0 : i32
      %dma_start3A_18 = tpu.memref_slice %arg9[%mul3A_2, %dma_start3A_17] : memref<10240x32xf32, #tpu.memory_space<vmem_shared>> -> memref<640x32xf32, #tpu.memory_space<vmem_shared>>
      tpu.enqueue_dma source(%arg8 : memref<640x32xf32, #tpu.memory_space<vmem>>) target(%dma_start3A_18 : memref<640x32xf32, #tpu.memory_space<vmem_shared>>) target_semaphore(%run_scoped3A : memref<!tpu.dma_semaphore, #tpu.memory_space<semaphore_mem>>)
      %dma_wait3A = arith.constant 0 : i32
      %dma_wait3A_19 = tpu.memref_slice %arg9[%mul3A_2, %dma_wait3A] : memref<10240x32xf32, #tpu.memory_space<vmem_shared>> -> memref<640x32xf32, #tpu.memory_space<vmem_shared>>
      %dma_wait3A_20 = arith.constant 0 : i32
      %dma_wait3A_21 = tpu.memref_slice %arg9[%mul3A_2, %dma_wait3A_20] : memref<10240x32xf32, #tpu.memory_space<vmem_shared>> -> memref<640x32xf32, #tpu.memory_space<vmem_shared>>
      tpu.wait_dma2 semaphore(%run_scoped3A : memref<!tpu.dma_semaphore, #tpu.memory_space<semaphore_mem>>) src(%arg8 : memref<640x32xf32, #tpu.memory_space<vmem>>) dst(%dma_wait3A_21 : memref<640x32xf32, #tpu.memory_space<vmem_shared>>)
      tpu.yield
    }) : () -> ()
    %barrier3A = arith.constant 0 : index
    tpu.barrier barrier_id(%barrier3A)
    %mul3A_3 = arith.constant 5000 : i32
    %mul3A_4 = arith.muli %add3A, %mul3A_3 : i32
    %add3A_5 = arith.constant 0 : i32
    %add3A_6 = arith.addi %mul3A_4, %add3A_5 : i32
    "tpu.region"() ({
      %run_scoped3A = tpu.sem_alloc : memref<!tpu.dma_semaphore, #tpu.memory_space<semaphore_mem>>
      %dma_start3A = tpu.memref_slice %arg3[%add3A_6] : memref<160000xi32, #tpu.memory_space<hbm>> -> memref<1000xi32, #tpu.memory_space<hbm>>
      %dma_start3A_16 = tpu.memref_slice %arg3[%add3A_6] : memref<160000xi32, #tpu.memory_space<hbm>> -> memref<1000xi32, #tpu.memory_space<hbm>>
      tpu.enqueue_dma source(%dma_start3A_16 : memref<1000xi32, #tpu.memory_space<hbm>>) target(%arg6 : memref<1000xi32, #tpu.memory_space<vmem>>) target_semaphore(%run_scoped3A : memref<!tpu.dma_semaphore, #tpu.memory_space<semaphore_mem>>)
      %dma_wait3A = tpu.memref_slice %arg3[%add3A_6] : memref<160000xi32, #tpu.memory_space<hbm>> -> memref<1000xi32, #tpu.memory_space<hbm>>
      %dma_wait3A_17 = tpu.memref_slice %arg3[%add3A_6] : memref<160000xi32, #tpu.memory_space<hbm>> -> memref<1000xi32, #tpu.memory_space<hbm>>
      tpu.wait_dma2 semaphore(%run_scoped3A : memref<!tpu.dma_semaphore, #tpu.memory_space<semaphore_mem>>) src(%dma_wait3A_17 : memref<1000xi32, #tpu.memory_space<hbm>>) dst(%arg6 : memref<1000xi32, #tpu.memory_space<vmem>>)
      tpu.yield
    }) : () -> ()
    "tpu.region"() ({
      %run_scoped3A = tpu.sem_alloc : memref<!tpu.dma_semaphore, #tpu.memory_space<semaphore_mem>>
      %dma_start3A = arith.constant 0 : i32
      %dma_start3A_16 = tpu.memref_slice %arg2[%add3A_6, %dma_start3A] : memref<160000x32xf32, #tpu.memory_space<hbm>> -> memref<1000x32xf32, #tpu.memory_space<hbm>>
      %dma_start3A_17 = arith.constant 0 : i32
      %dma_start3A_18 = tpu.memref_slice %arg2[%add3A_6, %dma_start3A_17] : memref<160000x32xf32, #tpu.memory_space<hbm>> -> memref<1000x32xf32, #tpu.memory_space<hbm>>
      tpu.enqueue_dma source(%dma_start3A_18 : memref<1000x32xf32, #tpu.memory_space<hbm>>) target(%arg7 : memref<1000x32xf32, #tpu.memory_space<vmem>>) target_semaphore(%run_scoped3A : memref<!tpu.dma_semaphore, #tpu.memory_space<semaphore_mem>>)
      %dma_wait3A = arith.constant 0 : i32
      %dma_wait3A_19 = tpu.memref_slice %arg2[%add3A_6, %dma_wait3A] : memref<160000x32xf32, #tpu.memory_space<hbm>> -> memref<1000x32xf32, #tpu.memory_space<hbm>>
      %dma_wait3A_20 = arith.constant 0 : i32
      %dma_wait3A_21 = tpu.memref_slice %arg2[%add3A_6, %dma_wait3A_20] : memref<160000x32xf32, #tpu.memory_space<hbm>> -> memref<1000x32xf32, #tpu.memory_space<hbm>>
      tpu.wait_dma2 semaphore(%run_scoped3A : memref<!tpu.dma_semaphore, #tpu.memory_space<semaphore_mem>>) src(%dma_wait3A_21 : memref<1000x32xf32, #tpu.memory_space<hbm>>) dst(%arg7 : memref<1000x32xf32, #tpu.memory_space<vmem>>)
      tpu.yield
    }) : () -> ()
    "tpu.region"() ({
      %run_scoped3A = tpu.sem_alloc : memref<!tpu.dma_semaphore, #tpu.memory_space<semaphore_mem>>
      %dma_start3A = arith.constant 0 : i32
      %dma_start3A_16 = arith.constant 0 : i32
      %dma_start3A_17 = tpu.memref_slice %arg9[%dma_start3A, %dma_start3A_16] : memref<10240x32xf32, #tpu.memory_space<vmem_shared>> -> memref<10240x32xf32, #tpu.memory_space<vmem_shared>>
      tpu.enqueue_indirect_dma source(%arg7 : memref<1000x32xf32, #tpu.memory_space<vmem>>) target(%dma_start3A_17 : memref<10240x32xf32, #tpu.memory_space<vmem_shared>>) offsets(%arg6 : memref<1000xi32, #tpu.memory_space<vmem>>) semaphore(%run_scoped3A : memref<!tpu.dma_semaphore, #tpu.memory_space<semaphore_mem>>) {add = true}
      %dma_wait3A = arith.constant 0 : i32
      %dma_wait3A_18 = arith.constant 0 : i32
      %dma_wait3A_19 = tpu.memref_slice %arg9[%dma_wait3A, %dma_wait3A_18] : memref<10240x32xf32, #tpu.memory_space<vmem_shared>> -> memref<10240x32xf32, #tpu.memory_space<vmem_shared>>
      tpu.wait_indirect_dma semaphore(%run_scoped3A : memref<!tpu.dma_semaphore, #tpu.memory_space<semaphore_mem>>) src(%arg7 : memref<1000x32xf32, #tpu.memory_space<vmem>>) dst(%dma_wait3A_19 : memref<10240x32xf32, #tpu.memory_space<vmem_shared>>)
      tpu.yield
    }) : () -> ()
    %add3A_7 = arith.constant 1000 : i32
    %add3A_8 = arith.addi %mul3A_4, %add3A_7 : i32
    "tpu.region"() ({
      %run_scoped3A = tpu.sem_alloc : memref<!tpu.dma_semaphore, #tpu.memory_space<semaphore_mem>>
      %dma_start3A = tpu.memref_slice %arg3[%add3A_8] : memref<160000xi32, #tpu.memory_space<hbm>> -> memref<1000xi32, #tpu.memory_space<hbm>>
      %dma_start3A_16 = tpu.memref_slice %arg3[%add3A_8] : memref<160000xi32, #tpu.memory_space<hbm>> -> memref<1000xi32, #tpu.memory_space<hbm>>
      tpu.enqueue_dma source(%dma_start3A_16 : memref<1000xi32, #tpu.memory_space<hbm>>) target(%arg6 : memref<1000xi32, #tpu.memory_space<vmem>>) target_semaphore(%run_scoped3A : memref<!tpu.dma_semaphore, #tpu.memory_space<semaphore_mem>>)
      %dma_wait3A = tpu.memref_slice %arg3[%add3A_8] : memref<160000xi32, #tpu.memory_space<hbm>> -> memref<1000xi32, #tpu.memory_space<hbm>>
      %dma_wait3A_17 = tpu.memref_slice %arg3[%add3A_8] : memref<160000xi32, #tpu.memory_space<hbm>> -> memref<1000xi32, #tpu.memory_space<hbm>>
      tpu.wait_dma2 semaphore(%run_scoped3A : memref<!tpu.dma_semaphore, #tpu.memory_space<semaphore_mem>>) src(%dma_wait3A_17 : memref<1000xi32, #tpu.memory_space<hbm>>) dst(%arg6 : memref<1000xi32, #tpu.memory_space<vmem>>)
      tpu.yield
    }) : () -> ()
    "tpu.region"() ({
      %run_scoped3A = tpu.sem_alloc : memref<!tpu.dma_semaphore, #tpu.memory_space<semaphore_mem>>
      %dma_start3A = arith.constant 0 : i32
      %dma_start3A_16 = tpu.memref_slice %arg2[%add3A_8, %dma_start3A] : memref<160000x32xf32, #tpu.memory_space<hbm>> -> memref<1000x32xf32, #tpu.memory_space<hbm>>
      %dma_start3A_17 = arith.constant 0 : i32
      %dma_start3A_18 = tpu.memref_slice %arg2[%add3A_8, %dma_start3A_17] : memref<160000x32xf32, #tpu.memory_space<hbm>> -> memref<1000x32xf32, #tpu.memory_space<hbm>>
      tpu.enqueue_dma source(%dma_start3A_18 : memref<1000x32xf32, #tpu.memory_space<hbm>>) target(%arg7 : memref<1000x32xf32, #tpu.memory_space<vmem>>) target_semaphore(%run_scoped3A : memref<!tpu.dma_semaphore, #tpu.memory_space<semaphore_mem>>)
      %dma_wait3A = arith.constant 0 : i32
      %dma_wait3A_19 = tpu.memref_slice %arg2[%add3A_8, %dma_wait3A] : memref<160000x32xf32, #tpu.memory_space<hbm>> -> memref<1000x32xf32, #tpu.memory_space<hbm>>
      %dma_wait3A_20 = arith.constant 0 : i32
      %dma_wait3A_21 = tpu.memref_slice %arg2[%add3A_8, %dma_wait3A_20] : memref<160000x32xf32, #tpu.memory_space<hbm>> -> memref<1000x32xf32, #tpu.memory_space<hbm>>
      tpu.wait_dma2 semaphore(%run_scoped3A : memref<!tpu.dma_semaphore, #tpu.memory_space<semaphore_mem>>) src(%dma_wait3A_21 : memref<1000x32xf32, #tpu.memory_space<hbm>>) dst(%arg7 : memref<1000x32xf32, #tpu.memory_space<vmem>>)
      tpu.yield
    }) : () -> ()
    "tpu.region"() ({
      %run_scoped3A = tpu.sem_alloc : memref<!tpu.dma_semaphore, #tpu.memory_space<semaphore_mem>>
      %dma_start3A = arith.constant 0 : i32
      %dma_start3A_16 = arith.constant 0 : i32
      %dma_start3A_17 = tpu.memref_slice %arg9[%dma_start3A, %dma_start3A_16] : memref<10240x32xf32, #tpu.memory_space<vmem_shared>> -> memref<10240x32xf32, #tpu.memory_space<vmem_shared>>
      tpu.enqueue_indirect_dma source(%arg7 : memref<1000x32xf32, #tpu.memory_space<vmem>>) target(%dma_start3A_17 : memref<10240x32xf32, #tpu.memory_space<vmem_shared>>) offsets(%arg6 : memref<1000xi32, #tpu.memory_space<vmem>>) semaphore(%run_scoped3A : memref<!tpu.dma_semaphore, #tpu.memory_space<semaphore_mem>>) {add = true}
      %dma_wait3A = arith.constant 0 : i32
      %dma_wait3A_18 = arith.constant 0 : i32
      %dma_wait3A_19 = tpu.memref_slice %arg9[%dma_wait3A, %dma_wait3A_18] : memref<10240x32xf32, #tpu.memory_space<vmem_shared>> -> memref<10240x32xf32, #tpu.memory_space<vmem_shared>>
      tpu.wait_indirect_dma semaphore(%run_scoped3A : memref<!tpu.dma_semaphore, #tpu.memory_space<semaphore_mem>>) src(%arg7 : memref<1000x32xf32, #tpu.memory_space<vmem>>) dst(%dma_wait3A_19 : memref<10240x32xf32, #tpu.memory_space<vmem_shared>>)
      tpu.yield
    }) : () -> ()
    %add3A_9 = arith.constant 2000 : i32
    %add3A_10 = arith.addi %mul3A_4, %add3A_9 : i32
    "tpu.region"() ({
      %run_scoped3A = tpu.sem_alloc : memref<!tpu.dma_semaphore, #tpu.memory_space<semaphore_mem>>
      %dma_start3A = tpu.memref_slice %arg3[%add3A_10] : memref<160000xi32, #tpu.memory_space<hbm>> -> memref<1000xi32, #tpu.memory_space<hbm>>
      %dma_start3A_16 = tpu.memref_slice %arg3[%add3A_10] : memref<160000xi32, #tpu.memory_space<hbm>> -> memref<1000xi32, #tpu.memory_space<hbm>>
      tpu.enqueue_dma source(%dma_start3A_16 : memref<1000xi32, #tpu.memory_space<hbm>>) target(%arg6 : memref<1000xi32, #tpu.memory_space<vmem>>) target_semaphore(%run_scoped3A : memref<!tpu.dma_semaphore, #tpu.memory_space<semaphore_mem>>)
      %dma_wait3A = tpu.memref_slice %arg3[%add3A_10] : memref<160000xi32, #tpu.memory_space<hbm>> -> memref<1000xi32, #tpu.memory_space<hbm>>
      %dma_wait3A_17 = tpu.memref_slice %arg3[%add3A_10] : memref<160000xi32, #tpu.memory_space<hbm>> -> memref<1000xi32, #tpu.memory_space<hbm>>
      tpu.wait_dma2 semaphore(%run_scoped3A : memref<!tpu.dma_semaphore, #tpu.memory_space<semaphore_mem>>) src(%dma_wait3A_17 : memref<1000xi32, #tpu.memory_space<hbm>>) dst(%arg6 : memref<1000xi32, #tpu.memory_space<vmem>>)
      tpu.yield
    }) : () -> ()
    "tpu.region"() ({
      %run_scoped3A = tpu.sem_alloc : memref<!tpu.dma_semaphore, #tpu.memory_space<semaphore_mem>>
      %dma_start3A = arith.constant 0 : i32
      %dma_start3A_16 = tpu.memref_slice %arg2[%add3A_10, %dma_start3A] : memref<160000x32xf32, #tpu.memory_space<hbm>> -> memref<1000x32xf32, #tpu.memory_space<hbm>>
      %dma_start3A_17 = arith.constant 0 : i32
      %dma_start3A_18 = tpu.memref_slice %arg2[%add3A_10, %dma_start3A_17] : memref<160000x32xf32, #tpu.memory_space<hbm>> -> memref<1000x32xf32, #tpu.memory_space<hbm>>
      tpu.enqueue_dma source(%dma_start3A_18 : memref<1000x32xf32, #tpu.memory_space<hbm>>) target(%arg7 : memref<1000x32xf32, #tpu.memory_space<vmem>>) target_semaphore(%run_scoped3A : memref<!tpu.dma_semaphore, #tpu.memory_space<semaphore_mem>>)
      %dma_wait3A = arith.constant 0 : i32
      %dma_wait3A_19 = tpu.memref_slice %arg2[%add3A_10, %dma_wait3A] : memref<160000x32xf32, #tpu.memory_space<hbm>> -> memref<1000x32xf32, #tpu.memory_space<hbm>>
      %dma_wait3A_20 = arith.constant 0 : i32
      %dma_wait3A_21 = tpu.memref_slice %arg2[%add3A_10, %dma_wait3A_20] : memref<160000x32xf32, #tpu.memory_space<hbm>> -> memref<1000x32xf32, #tpu.memory_space<hbm>>
      tpu.wait_dma2 semaphore(%run_scoped3A : memref<!tpu.dma_semaphore, #tpu.memory_space<semaphore_mem>>) src(%dma_wait3A_21 : memref<1000x32xf32, #tpu.memory_space<hbm>>) dst(%arg7 : memref<1000x32xf32, #tpu.memory_space<vmem>>)
      tpu.yield
    }) : () -> ()
    "tpu.region"() ({
      %run_scoped3A = tpu.sem_alloc : memref<!tpu.dma_semaphore, #tpu.memory_space<semaphore_mem>>
      %dma_start3A = arith.constant 0 : i32
      %dma_start3A_16 = arith.constant 0 : i32
      %dma_start3A_17 = tpu.memref_slice %arg9[%dma_start3A, %dma_start3A_16] : memref<10240x32xf32, #tpu.memory_space<vmem_shared>> -> memref<10240x32xf32, #tpu.memory_space<vmem_shared>>
      tpu.enqueue_indirect_dma source(%arg7 : memref<1000x32xf32, #tpu.memory_space<vmem>>) target(%dma_start3A_17 : memref<10240x32xf32, #tpu.memory_space<vmem_shared>>) offsets(%arg6 : memref<1000xi32, #tpu.memory_space<vmem>>) semaphore(%run_scoped3A : memref<!tpu.dma_semaphore, #tpu.memory_space<semaphore_mem>>) {add = true}
      %dma_wait3A = arith.constant 0 : i32
      %dma_wait3A_18 = arith.constant 0 : i32
      %dma_wait3A_19 = tpu.memref_slice %arg9[%dma_wait3A, %dma_wait3A_18] : memref<10240x32xf32, #tpu.memory_space<vmem_shared>> -> memref<10240x32xf32, #tpu.memory_space<vmem_shared>>
      tpu.wait_indirect_dma semaphore(%run_scoped3A : memref<!tpu.dma_semaphore, #tpu.memory_space<semaphore_mem>>) src(%arg7 : memref<1000x32xf32, #tpu.memory_space<vmem>>) dst(%dma_wait3A_19 : memref<10240x32xf32, #tpu.memory_space<vmem_shared>>)
      tpu.yield
    }) : () -> ()
    %add3A_11 = arith.constant 3000 : i32
    %add3A_12 = arith.addi %mul3A_4, %add3A_11 : i32
    "tpu.region"() ({
      %run_scoped3A = tpu.sem_alloc : memref<!tpu.dma_semaphore, #tpu.memory_space<semaphore_mem>>
      %dma_start3A = tpu.memref_slice %arg3[%add3A_12] : memref<160000xi32, #tpu.memory_space<hbm>> -> memref<1000xi32, #tpu.memory_space<hbm>>
      %dma_start3A_16 = tpu.memref_slice %arg3[%add3A_12] : memref<160000xi32, #tpu.memory_space<hbm>> -> memref<1000xi32, #tpu.memory_space<hbm>>
      tpu.enqueue_dma source(%dma_start3A_16 : memref<1000xi32, #tpu.memory_space<hbm>>) target(%arg6 : memref<1000xi32, #tpu.memory_space<vmem>>) target_semaphore(%run_scoped3A : memref<!tpu.dma_semaphore, #tpu.memory_space<semaphore_mem>>)
      %dma_wait3A = tpu.memref_slice %arg3[%add3A_12] : memref<160000xi32, #tpu.memory_space<hbm>> -> memref<1000xi32, #tpu.memory_space<hbm>>
      %dma_wait3A_17 = tpu.memref_slice %arg3[%add3A_12] : memref<160000xi32, #tpu.memory_space<hbm>> -> memref<1000xi32, #tpu.memory_space<hbm>>
      tpu.wait_dma2 semaphore(%run_scoped3A : memref<!tpu.dma_semaphore, #tpu.memory_space<semaphore_mem>>) src(%dma_wait3A_17 : memref<1000xi32, #tpu.memory_space<hbm>>) dst(%arg6 : memref<1000xi32, #tpu.memory_space<vmem>>)
      tpu.yield
    }) : () -> ()
    "tpu.region"() ({
      %run_scoped3A = tpu.sem_alloc : memref<!tpu.dma_semaphore, #tpu.memory_space<semaphore_mem>>
      %dma_start3A = arith.constant 0 : i32
      %dma_start3A_16 = tpu.memref_slice %arg2[%add3A_12, %dma_start3A] : memref<160000x32xf32, #tpu.memory_space<hbm>> -> memref<1000x32xf32, #tpu.memory_space<hbm>>
      %dma_start3A_17 = arith.constant 0 : i32
      %dma_start3A_18 = tpu.memref_slice %arg2[%add3A_12, %dma_start3A_17] : memref<160000x32xf32, #tpu.memory_space<hbm>> -> memref<1000x32xf32, #tpu.memory_space<hbm>>
      tpu.enqueue_dma source(%dma_start3A_18 : memref<1000x32xf32, #tpu.memory_space<hbm>>) target(%arg7 : memref<1000x32xf32, #tpu.memory_space<vmem>>) target_semaphore(%run_scoped3A : memref<!tpu.dma_semaphore, #tpu.memory_space<semaphore_mem>>)
      %dma_wait3A = arith.constant 0 : i32
      %dma_wait3A_19 = tpu.memref_slice %arg2[%add3A_12, %dma_wait3A] : memref<160000x32xf32, #tpu.memory_space<hbm>> -> memref<1000x32xf32, #tpu.memory_space<hbm>>
      %dma_wait3A_20 = arith.constant 0 : i32
      %dma_wait3A_21 = tpu.memref_slice %arg2[%add3A_12, %dma_wait3A_20] : memref<160000x32xf32, #tpu.memory_space<hbm>> -> memref<1000x32xf32, #tpu.memory_space<hbm>>
      tpu.wait_dma2 semaphore(%run_scoped3A : memref<!tpu.dma_semaphore, #tpu.memory_space<semaphore_mem>>) src(%dma_wait3A_21 : memref<1000x32xf32, #tpu.memory_space<hbm>>) dst(%arg7 : memref<1000x32xf32, #tpu.memory_space<vmem>>)
      tpu.yield
    }) : () -> ()
    "tpu.region"() ({
      %run_scoped3A = tpu.sem_alloc : memref<!tpu.dma_semaphore, #tpu.memory_space<semaphore_mem>>
      %dma_start3A = arith.constant 0 : i32
      %dma_start3A_16 = arith.constant 0 : i32
      %dma_start3A_17 = tpu.memref_slice %arg9[%dma_start3A, %dma_start3A_16] : memref<10240x32xf32, #tpu.memory_space<vmem_shared>> -> memref<10240x32xf32, #tpu.memory_space<vmem_shared>>
      tpu.enqueue_indirect_dma source(%arg7 : memref<1000x32xf32, #tpu.memory_space<vmem>>) target(%dma_start3A_17 : memref<10240x32xf32, #tpu.memory_space<vmem_shared>>) offsets(%arg6 : memref<1000xi32, #tpu.memory_space<vmem>>) semaphore(%run_scoped3A : memref<!tpu.dma_semaphore, #tpu.memory_space<semaphore_mem>>) {add = true}
      %dma_wait3A = arith.constant 0 : i32
      %dma_wait3A_18 = arith.constant 0 : i32
      %dma_wait3A_19 = tpu.memref_slice %arg9[%dma_wait3A, %dma_wait3A_18] : memref<10240x32xf32, #tpu.memory_space<vmem_shared>> -> memref<10240x32xf32, #tpu.memory_space<vmem_shared>>
      tpu.wait_indirect_dma semaphore(%run_scoped3A : memref<!tpu.dma_semaphore, #tpu.memory_space<semaphore_mem>>) src(%arg7 : memref<1000x32xf32, #tpu.memory_space<vmem>>) dst(%dma_wait3A_19 : memref<10240x32xf32, #tpu.memory_space<vmem_shared>>)
      tpu.yield
    }) : () -> ()
    %add3A_13 = arith.constant 4000 : i32
    %add3A_14 = arith.addi %mul3A_4, %add3A_13 : i32
    "tpu.region"() ({
      %run_scoped3A = tpu.sem_alloc : memref<!tpu.dma_semaphore, #tpu.memory_space<semaphore_mem>>
      %dma_start3A = tpu.memref_slice %arg3[%add3A_14] : memref<160000xi32, #tpu.memory_space<hbm>> -> memref<1000xi32, #tpu.memory_space<hbm>>
      %dma_start3A_16 = tpu.memref_slice %arg3[%add3A_14] : memref<160000xi32, #tpu.memory_space<hbm>> -> memref<1000xi32, #tpu.memory_space<hbm>>
      tpu.enqueue_dma source(%dma_start3A_16 : memref<1000xi32, #tpu.memory_space<hbm>>) target(%arg6 : memref<1000xi32, #tpu.memory_space<vmem>>) target_semaphore(%run_scoped3A : memref<!tpu.dma_semaphore, #tpu.memory_space<semaphore_mem>>)
      %dma_wait3A = tpu.memref_slice %arg3[%add3A_14] : memref<160000xi32, #tpu.memory_space<hbm>> -> memref<1000xi32, #tpu.memory_space<hbm>>
      %dma_wait3A_17 = tpu.memref_slice %arg3[%add3A_14] : memref<160000xi32, #tpu.memory_space<hbm>> -> memref<1000xi32, #tpu.memory_space<hbm>>
      tpu.wait_dma2 semaphore(%run_scoped3A : memref<!tpu.dma_semaphore, #tpu.memory_space<semaphore_mem>>) src(%dma_wait3A_17 : memref<1000xi32, #tpu.memory_space<hbm>>) dst(%arg6 : memref<1000xi32, #tpu.memory_space<vmem>>)
      tpu.yield
    }) : () -> ()
    "tpu.region"() ({
      %run_scoped3A = tpu.sem_alloc : memref<!tpu.dma_semaphore, #tpu.memory_space<semaphore_mem>>
      %dma_start3A = arith.constant 0 : i32
      %dma_start3A_16 = tpu.memref_slice %arg2[%add3A_14, %dma_start3A] : memref<160000x32xf32, #tpu.memory_space<hbm>> -> memref<1000x32xf32, #tpu.memory_space<hbm>>
      %dma_start3A_17 = arith.constant 0 : i32
      %dma_start3A_18 = tpu.memref_slice %arg2[%add3A_14, %dma_start3A_17] : memref<160000x32xf32, #tpu.memory_space<hbm>> -> memref<1000x32xf32, #tpu.memory_space<hbm>>
      tpu.enqueue_dma source(%dma_start3A_18 : memref<1000x32xf32, #tpu.memory_space<hbm>>) target(%arg7 : memref<1000x32xf32, #tpu.memory_space<vmem>>) target_semaphore(%run_scoped3A : memref<!tpu.dma_semaphore, #tpu.memory_space<semaphore_mem>>)
      %dma_wait3A = arith.constant 0 : i32
      %dma_wait3A_19 = tpu.memref_slice %arg2[%add3A_14, %dma_wait3A] : memref<160000x32xf32, #tpu.memory_space<hbm>> -> memref<1000x32xf32, #tpu.memory_space<hbm>>
      %dma_wait3A_20 = arith.constant 0 : i32
      %dma_wait3A_21 = tpu.memref_slice %arg2[%add3A_14, %dma_wait3A_20] : memref<160000x32xf32, #tpu.memory_space<hbm>> -> memref<1000x32xf32, #tpu.memory_space<hbm>>
      tpu.wait_dma2 semaphore(%run_scoped3A : memref<!tpu.dma_semaphore, #tpu.memory_space<semaphore_mem>>) src(%dma_wait3A_21 : memref<1000x32xf32, #tpu.memory_space<hbm>>) dst(%arg7 : memref<1000x32xf32, #tpu.memory_space<vmem>>)
      tpu.yield
    }) : () -> ()
    "tpu.region"() ({
      %run_scoped3A = tpu.sem_alloc : memref<!tpu.dma_semaphore, #tpu.memory_space<semaphore_mem>>
      %dma_start3A = arith.constant 0 : i32
      %dma_start3A_16 = arith.constant 0 : i32
      %dma_start3A_17 = tpu.memref_slice %arg9[%dma_start3A, %dma_start3A_16] : memref<10240x32xf32, #tpu.memory_space<vmem_shared>> -> memref<10240x32xf32, #tpu.memory_space<vmem_shared>>
      tpu.enqueue_indirect_dma source(%arg7 : memref<1000x32xf32, #tpu.memory_space<vmem>>) target(%dma_start3A_17 : memref<10240x32xf32, #tpu.memory_space<vmem_shared>>) offsets(%arg6 : memref<1000xi32, #tpu.memory_space<vmem>>) semaphore(%run_scoped3A : memref<!tpu.dma_semaphore, #tpu.memory_space<semaphore_mem>>) {add = true}
      %dma_wait3A = arith.constant 0 : i32
      %dma_wait3A_18 = arith.constant 0 : i32
      %dma_wait3A_19 = tpu.memref_slice %arg9[%dma_wait3A, %dma_wait3A_18] : memref<10240x32xf32, #tpu.memory_space<vmem_shared>> -> memref<10240x32xf32, #tpu.memory_space<vmem_shared>>
      tpu.wait_indirect_dma semaphore(%run_scoped3A : memref<!tpu.dma_semaphore, #tpu.memory_space<semaphore_mem>>) src(%arg7 : memref<1000x32xf32, #tpu.memory_space<vmem>>) dst(%dma_wait3A_19 : memref<10240x32xf32, #tpu.memory_space<vmem_shared>>)
      tpu.yield
    }) : () -> ()
    %barrier3A_15 = arith.constant 0 : index
    tpu.barrier barrier_id(%barrier3A_15)
    "tpu.region"() ({
      %run_scoped3A = tpu.sem_alloc : memref<!tpu.dma_semaphore, #tpu.memory_space<semaphore_mem>>
      %dma_start3A = arith.constant 0 : i32
      %dma_start3A_16 = tpu.memref_slice %arg9[%mul3A_2, %dma_start3A] : memref<10240x32xf32, #tpu.memory_space<vmem_shared>> -> memref<640x32xf32, #tpu.memory_space<vmem_shared>>
      %dma_start3A_17 = arith.constant 0 : i32
      %dma_start3A_18 = tpu.memref_slice %arg9[%mul3A_2, %dma_start3A_17] : memref<10240x32xf32, #tpu.memory_space<vmem_shared>> -> memref<640x32xf32, #tpu.memory_space<vmem_shared>>
      tpu.enqueue_dma source(%dma_start3A_18 : memref<640x32xf32, #tpu.memory_space<vmem_shared>>) target(%arg8 : memref<640x32xf32, #tpu.memory_space<vmem>>) target_semaphore(%run_scoped3A : memref<!tpu.dma_semaphore, #tpu.memory_space<semaphore_mem>>)
      %dma_wait3A = arith.constant 0 : i32
      %dma_wait3A_19 = tpu.memref_slice %arg9[%mul3A_2, %dma_wait3A] : memref<10240x32xf32, #tpu.memory_space<vmem_shared>> -> memref<640x32xf32, #tpu.memory_space<vmem_shared>>
      %dma_wait3A_20 = arith.constant 0 : i32
      %dma_wait3A_21 = tpu.memref_slice %arg9[%mul3A_2, %dma_wait3A_20] : memref<10240x32xf32, #tpu.memory_space<vmem_shared>> -> memref<640x32xf32, #tpu.memory_space<vmem_shared>>
      tpu.wait_dma2 semaphore(%run_scoped3A : memref<!tpu.dma_semaphore, #tpu.memory_space<semaphore_mem>>) src(%dma_wait3A_21 : memref<640x32xf32, #tpu.memory_space<vmem_shared>>) dst(%arg8 : memref<640x32xf32, #tpu.memory_space<vmem>>)
      tpu.yield
    }) : () -> ()
    "tpu.region"() ({
      %run_scoped3A = tpu.sem_alloc : memref<!tpu.dma_semaphore, #tpu.memory_space<semaphore_mem>>
      %dma_start3A = arith.constant 0 : i32
      %dma_start3A_16 = tpu.memref_slice %arg5[%arg0, %mul3A_2, %dma_start3A] : memref<2x10240x32xf32, #tpu.memory_space<hbm>> -> memref<1x640x32xf32, #tpu.memory_space<hbm>>
      %dma_start3A_17 = tpu.memref_squeeze %dma_start3A_16 : memref<1x640x32xf32, #tpu.memory_space<hbm>> -> memref<640x32xf32, #tpu.memory_space<hbm>>
      %dma_start3A_18 = arith.constant 0 : i32
      %dma_start3A_19 = tpu.memref_slice %arg5[%arg0, %mul3A_2, %dma_start3A_18] : memref<2x10240x32xf32, #tpu.memory_space<hbm>> -> memref<1x640x32xf32, #tpu.memory_space<hbm>>
      %dma_start3A_20 = tpu.memref_squeeze %dma_start3A_19 : memref<1x640x32xf32, #tpu.memory_space<hbm>> -> memref<640x32xf32, #tpu.memory_space<hbm>>
      tpu.enqueue_dma source(%arg8 : memref<640x32xf32, #tpu.memory_space<vmem>>) target(%dma_start3A_20 : memref<640x32xf32, #tpu.memory_space<hbm>>) target_semaphore(%run_scoped3A : memref<!tpu.dma_semaphore, #tpu.memory_space<semaphore_mem>>)
      %dma_wait3A = arith.constant 0 : i32
      %dma_wait3A_21 = tpu.memref_slice %arg5[%arg0, %mul3A_2, %dma_wait3A] : memref<2x10240x32xf32, #tpu.memory_space<hbm>> -> memref<1x640x32xf32, #tpu.memory_space<hbm>>
      %dma_wait3A_22 = tpu.memref_squeeze %dma_wait3A_21 : memref<1x640x32xf32, #tpu.memory_space<hbm>> -> memref<640x32xf32, #tpu.memory_space<hbm>>
      %dma_wait3A_23 = arith.constant 0 : i32
      %dma_wait3A_24 = tpu.memref_slice %arg5[%arg0, %mul3A_2, %dma_wait3A_23] : memref<2x10240x32xf32, #tpu.memory_space<hbm>> -> memref<1x640x32xf32, #tpu.memory_space<hbm>>
      %dma_wait3A_25 = tpu.memref_squeeze %dma_wait3A_24 : memref<1x640x32xf32, #tpu.memory_space<hbm>> -> memref<640x32xf32, #tpu.memory_space<hbm>>
      tpu.wait_dma2 semaphore(%run_scoped3A : memref<!tpu.dma_semaphore, #tpu.memory_space<semaphore_mem>>) src(%arg8 : memref<640x32xf32, #tpu.memory_space<vmem>>) dst(%dma_wait3A_25 : memref<640x32xf32, #tpu.memory_space<hbm>>)
      tpu.yield
    }) : () -> ()
    return
  }
}

module attributes {stable_mosaic.version = 14 : i64} {
  func.func @_node_mlp_body(%arg0: memref<10000x128xf32, #tpu.memory_space<vmem>>, %arg1: memref<128x32xf32, #tpu.memory_space<vmem>>, %arg2: memref<1x32xf32, #tpu.memory_space<vmem>>, %arg3: memref<32x32xf32, #tpu.memory_space<vmem>>, %arg4: memref<1x32xf32, #tpu.memory_space<vmem>>, %arg5: memref<32x32xf32, #tpu.memory_space<vmem>>, %arg6: memref<1x32xf32, #tpu.memory_space<vmem>>, %arg7: memref<10000x32xf32, #tpu.memory_space<vmem>>) attributes {dimension_semantics = [], scalar_prefetch = 0 : i64, scratch_operands = 0 : i64, tpu.core_type = #tpu.core_type<tc>} {
    %get3A = arith.constant 0 : index
    %get3A_0 = arith.constant 0 : index
    %get3A_1 = vector.load %arg0[%get3A, %get3A_0] : memref<10000x128xf32, #tpu.memory_space<vmem>>, vector<10000x128xf32>
    %get3A_2 = arith.constant 0 : index
    %get3A_3 = arith.constant 0 : index
    %get3A_4 = vector.load %arg1[%get3A_2, %get3A_3] : memref<128x32xf32, #tpu.memory_space<vmem>>, vector<128x32xf32>
    %dot_general3A = arith.constant dense<0.000000e+00> : vector<10000x32xf32>
    %dot_general3A_5 = tpu.matmul %get3A_1, %get3A_4, %dot_general3A {dimension_numbers = #tpu.dot_dimension_numbers<[1], [0], [0], [1], [0, 0, 1, 1], [], []>, transpose_lhs_hint = false} : vector<10000x128xf32>, vector<128x32xf32>, vector<10000x32xf32> -> vector<10000x32xf32>
    %get3A_6 = arith.constant 0 : index
    %get3A_7 = arith.constant 0 : index
    %get3A_8 = vector.load %arg2[%get3A_6, %get3A_7] : memref<1x32xf32, #tpu.memory_space<vmem>>, vector<1x32xf32>
    %add3A = vector.broadcast %get3A_8 : vector<1x32xf32> to vector<10000x32xf32>
    %add3A_9 = arith.addf %dot_general3A_5, %add3A : vector<10000x32xf32>
    %max3A = arith.constant 0.000000e+00 : f32
    %max3A_10 = vector.broadcast %max3A : f32 to vector<10000x32xf32>
    %max3A_11 = arith.maximumf %add3A_9, %max3A_10 : vector<10000x32xf32>
    %get3A_12 = arith.constant 0 : index
    %get3A_13 = arith.constant 0 : index
    %get3A_14 = vector.load %arg3[%get3A_12, %get3A_13] : memref<32x32xf32, #tpu.memory_space<vmem>>, vector<32x32xf32>
    %dot_general3A_15 = arith.constant dense<0.000000e+00> : vector<10000x32xf32>
    %dot_general3A_16 = tpu.matmul %max3A_11, %get3A_14, %dot_general3A_15 {dimension_numbers = #tpu.dot_dimension_numbers<[1], [0], [0], [1], [0, 0, 1, 1], [], []>, transpose_lhs_hint = false} : vector<10000x32xf32>, vector<32x32xf32>, vector<10000x32xf32> -> vector<10000x32xf32>
    %get3A_17 = arith.constant 0 : index
    %get3A_18 = arith.constant 0 : index
    %get3A_19 = vector.load %arg4[%get3A_17, %get3A_18] : memref<1x32xf32, #tpu.memory_space<vmem>>, vector<1x32xf32>
    %add3A_20 = vector.broadcast %get3A_19 : vector<1x32xf32> to vector<10000x32xf32>
    %add3A_21 = arith.addf %dot_general3A_16, %add3A_20 : vector<10000x32xf32>
    %max3A_22 = arith.constant 0.000000e+00 : f32
    %max3A_23 = vector.broadcast %max3A_22 : f32 to vector<10000x32xf32>
    %max3A_24 = arith.maximumf %add3A_21, %max3A_23 : vector<10000x32xf32>
    %get3A_25 = arith.constant 0 : index
    %get3A_26 = arith.constant 0 : index
    %get3A_27 = vector.load %arg5[%get3A_25, %get3A_26] : memref<32x32xf32, #tpu.memory_space<vmem>>, vector<32x32xf32>
    %dot_general3A_28 = arith.constant dense<0.000000e+00> : vector<10000x32xf32>
    %dot_general3A_29 = tpu.matmul %max3A_24, %get3A_27, %dot_general3A_28 {dimension_numbers = #tpu.dot_dimension_numbers<[1], [0], [0], [1], [0, 0, 1, 1], [], []>, transpose_lhs_hint = false} : vector<10000x32xf32>, vector<32x32xf32>, vector<10000x32xf32> -> vector<10000x32xf32>
    %get3A_30 = arith.constant 0 : index
    %get3A_31 = arith.constant 0 : index
    %get3A_32 = vector.load %arg6[%get3A_30, %get3A_31] : memref<1x32xf32, #tpu.memory_space<vmem>>, vector<1x32xf32>
    %add3A_33 = vector.broadcast %get3A_32 : vector<1x32xf32> to vector<10000x32xf32>
    %add3A_34 = arith.addf %dot_general3A_29, %add3A_33 : vector<10000x32xf32>
    %swap3A = arith.constant 0 : index
    %swap3A_35 = arith.constant 0 : index
    %swap3A_36 = vector.load %arg7[%swap3A, %swap3A_35] : memref<10000x32xf32, #tpu.memory_space<vmem>>, vector<10000x32xf32>
    tpu.vector_store %arg7[%swap3A, %swap3A_35], %add3A_34 {strides = array<i32>} : memref<10000x32xf32, #tpu.memory_space<vmem>>, vector<10000x32xf32>,
    return
  }
}

module attributes {stable_mosaic.version = 14 : i64} {
  func.func @_edge_msg_body(%arg0: i32, %arg1: memref<6400x16xf32, #tpu.memory_space<vmem>>, %arg2: memref<1600x128xf32, #tpu.memory_space<vmem>>, %arg3: memref<16x32xf32, #tpu.memory_space<vmem>>, %arg4: memref<1x32xf32, #tpu.memory_space<vmem>>, %arg5: memref<32x32xf32, #tpu.memory_space<vmem>>, %arg6: memref<1x32xf32, #tpu.memory_space<vmem>>, %arg7: memref<32x1024xbf16, #tpu.memory_space<vmem>>, %arg8: memref<32x32xf32, #tpu.memory_space<vmem>>, %arg9: memref<1024x32xbf16, #tpu.memory_space<vmem>>, %arg10: memref<1600x128xf32, #tpu.memory_space<vmem>>) attributes {dimension_semantics = [#tpu.dimension_semantics<arbitrary>], iteration_bounds = array<i64: 25>, scalar_prefetch = 0 : i64, scratch_operands = 0 : i64, tpu.core_type = #tpu.core_type<tc>, window_params = [{transform_indices = @transform_0, window_bounds = array<i64: 6400, 16>}, {transform_indices = @transform_1, window_bounds = array<i64: 1600, 128>}, {pipeline_mode = #tpu.pipeline_mode<synchronous>, transform_indices = @transform_2, window_bounds = array<i64: 16, 32>}, {pipeline_mode = #tpu.pipeline_mode<synchronous>, transform_indices = @transform_3, window_bounds = array<i64: 1, 32>}, {pipeline_mode = #tpu.pipeline_mode<synchronous>, transform_indices = @transform_4, window_bounds = array<i64: 32, 32>}, {pipeline_mode = #tpu.pipeline_mode<synchronous>, transform_indices = @transform_5, window_bounds = array<i64: 1, 32>}, {pipeline_mode = #tpu.pipeline_mode<synchronous>, transform_indices = @transform_6, window_bounds = array<i64: 32, 1024>}, {pipeline_mode = #tpu.pipeline_mode<synchronous>, transform_indices = @transform_7, window_bounds = array<i64: 32, 32>}, {pipeline_mode = #tpu.pipeline_mode<synchronous>, transform_indices = @transform_8, window_bounds = array<i64: 1024, 32>}, {transform_indices = @transform_9, window_bounds = array<i64: 1600, 128>}]} {
    %get3A = arith.constant 0 : index
    %get3A_0 = arith.constant 0 : index
    %get3A_1 = vector.load %arg2[%get3A, %get3A_0] : memref<1600x128xf32, #tpu.memory_space<vmem>>, vector<1600x128xf32>
    %slice3A = vector.extract_strided_slice %get3A_1 {offsets = [0, 0], sizes = [1600, 32], strides = [1, 1]} : vector<1600x128xf32> to vector<1600x32xf32>
    %slice3A_2 = vector.extract_strided_slice %get3A_1 {offsets = [0, 32], sizes = [1600, 32], strides = [1, 1]} : vector<1600x128xf32> to vector<1600x32xf32>
    %slice3A_3 = vector.extract_strided_slice %get3A_1 {offsets = [0, 64], sizes = [1600, 32], strides = [1, 1]} : vector<1600x128xf32> to vector<1600x32xf32>
    %slice3A_4 = vector.extract_strided_slice %get3A_1 {offsets = [0, 96], sizes = [1600, 32], strides = [1, 1]} : vector<1600x128xf32> to vector<1600x32xf32>
    %concatenate3A = tpu.concatenate %slice3A, %slice3A_2, %slice3A_3, %slice3A_4 in 0 : vector<1600x32xf32>, vector<1600x32xf32>, vector<1600x32xf32>, vector<1600x32xf32> -> vector<6400x32xf32>
    %get3A_5 = arith.constant 0 : index
    %get3A_6 = arith.constant 0 : index
    %get3A_7 = vector.load %arg1[%get3A_5, %get3A_6] : memref<6400x16xf32, #tpu.memory_space<vmem>>, vector<6400x16xf32>
    %get3A_8 = arith.constant 0 : index
    %get3A_9 = arith.constant 0 : index
    %get3A_10 = vector.load %arg3[%get3A_8, %get3A_9] : memref<16x32xf32, #tpu.memory_space<vmem>>, vector<16x32xf32>
    %dot_general3A = arith.constant dense<0.000000e+00> : vector<6400x32xf32>
    %dot_general3A_11 = tpu.matmul %get3A_7, %get3A_10, %dot_general3A {dimension_numbers = #tpu.dot_dimension_numbers<[1], [0], [0], [1], [0, 0, 1, 1], [], []>, transpose_lhs_hint = false} : vector<6400x16xf32>, vector<16x32xf32>, vector<6400x32xf32> -> vector<6400x32xf32>
    %get3A_12 = arith.constant 0 : index
    %get3A_13 = arith.constant 0 : index
    %get3A_14 = vector.load %arg4[%get3A_12, %get3A_13] : memref<1x32xf32, #tpu.memory_space<vmem>>, vector<1x32xf32>
    %add3A = vector.broadcast %get3A_14 : vector<1x32xf32> to vector<6400x32xf32>
    %add3A_15 = arith.addf %dot_general3A_11, %add3A : vector<6400x32xf32>
    %max3A = arith.constant 0.000000e+00 : f32
    %max3A_16 = vector.broadcast %max3A : f32 to vector<6400x32xf32>
    %max3A_17 = arith.maximumf %add3A_15, %max3A_16 : vector<6400x32xf32>
    %get3A_18 = arith.constant 0 : index
    %get3A_19 = arith.constant 0 : index
    %get3A_20 = vector.load %arg5[%get3A_18, %get3A_19] : memref<32x32xf32, #tpu.memory_space<vmem>>, vector<32x32xf32>
    %dot_general3A_21 = arith.constant dense<0.000000e+00> : vector<6400x32xf32>
    %dot_general3A_22 = tpu.matmul %max3A_17, %get3A_20, %dot_general3A_21 {dimension_numbers = #tpu.dot_dimension_numbers<[1], [0], [0], [1], [0, 0, 1, 1], [], []>, transpose_lhs_hint = false} : vector<6400x32xf32>, vector<32x32xf32>, vector<6400x32xf32> -> vector<6400x32xf32>
    %get3A_23 = arith.constant 0 : index
    %get3A_24 = arith.constant 0 : index
    %get3A_25 = vector.load %arg6[%get3A_23, %get3A_24] : memref<1x32xf32, #tpu.memory_space<vmem>>, vector<1x32xf32>
    %add3A_26 = vector.broadcast %get3A_25 : vector<1x32xf32> to vector<6400x32xf32>
    %add3A_27 = arith.addf %dot_general3A_22, %add3A_26 : vector<6400x32xf32>
    %max3A_28 = arith.constant 0.000000e+00 : f32
    %max3A_29 = vector.broadcast %max3A_28 : f32 to vector<6400x32xf32>
    %max3A_30 = arith.maximumf %add3A_27, %max3A_29 : vector<6400x32xf32>
    %convert_element_type3A = arith.truncf %max3A_30 : vector<6400x32xf32> to vector<6400x32xbf16>
    %get3A_31 = arith.constant 0 : index
    %get3A_32 = arith.constant 0 : index
    %get3A_33 = vector.load %arg7[%get3A_31, %get3A_32] : memref<32x1024xbf16, #tpu.memory_space<vmem>>, vector<32x1024xbf16>
    %dot_general3A_34 = arith.constant dense<0.000000e+00> : vector<6400x1024xf32>
    %dot_general3A_35 = tpu.matmul %convert_element_type3A, %get3A_33, %dot_general3A_34 {dimension_numbers = #tpu.dot_dimension_numbers<[1], [0], [0], [1], [0, 0, 1, 1], [], []>, transpose_lhs_hint = false} : vector<6400x32xbf16>, vector<32x1024xbf16>, vector<6400x1024xf32> -> vector<6400x1024xf32>
    %convert_element_type3A_36 = arith.truncf %dot_general3A_35 : vector<6400x1024xf32> to vector<6400x1024xbf16>
    %convert_element_type3A_37 = arith.truncf %concatenate3A : vector<6400x32xf32> to vector<6400x32xbf16>
    %tile3A = tpu.concatenate %convert_element_type3A_37, %convert_element_type3A_37, %convert_element_type3A_37, %convert_element_type3A_37, %convert_element_type3A_37, %convert_element_type3A_37, %convert_element_type3A_37, %convert_element_type3A_37, %convert_element_type3A_37, %convert_element_type3A_37, %convert_element_type3A_37, %convert_element_type3A_37, %convert_element_type3A_37, %convert_element_type3A_37, %convert_element_type3A_37, %convert_element_type3A_37, %convert_element_type3A_37, %convert_element_type3A_37, %convert_element_type3A_37, %convert_element_type3A_37, %convert_element_type3A_37, %convert_element_type3A_37, %convert_element_type3A_37, %convert_element_type3A_37, %convert_element_type3A_37, %convert_element_type3A_37, %convert_element_type3A_37, %convert_element_type3A_37, %convert_element_type3A_37, %convert_element_type3A_37, %convert_element_type3A_37, %convert_element_type3A_37 in 1 : vector<6400x32xbf16>, vector<6400x32xbf16>, vector<6400x32xbf16>, vector<6400x32xbf16>, vector<6400x32xbf16>, vector<6400x32xbf16>, vector<6400x32xbf16>, vector<6400x32xbf16>, vector<6400x32xbf16>, vector<6400x32xbf16>, vector<6400x32xbf16>, vector<6400x32xbf16>, vector<6400x32xbf16>, vector<6400x32xbf16>, vector<6400x32xbf16>, vector<6400x32xbf16>, vector<6400x32xbf16>, vector<6400x32xbf16>, vector<6400x32xbf16>, vector<6400x32xbf16>, vector<6400x32xbf16>, vector<6400x32xbf16>, vector<6400x32xbf16>, vector<6400x32xbf16>, vector<6400x32xbf16>, vector<6400x32xbf16>, vector<6400x32xbf16>, vector<6400x32xbf16>, vector<6400x32xbf16>, vector<6400x32xbf16>, vector<6400x32xbf16>, vector<6400x32xbf16> -> vector<6400x1024xbf16>
    %mul3A = arith.mulf %tile3A, %convert_element_type3A_36 : vector<6400x1024xbf16>
    %get3A_38 = arith.constant 0 : index
    %get3A_39 = arith.constant 0 : index
    %get3A_40 = vector.load %arg9[%get3A_38, %get3A_39] : memref<1024x32xbf16, #tpu.memory_space<vmem>>, vector<1024x32xbf16>
    %dot_general3A_41 = arith.constant dense<0.000000e+00> : vector<6400x32xf32>
    %dot_general3A_42 = tpu.matmul %mul3A, %get3A_40, %dot_general3A_41 {dimension_numbers = #tpu.dot_dimension_numbers<[1], [0], [0], [1], [0, 0, 1, 1], [], []>, transpose_lhs_hint = false} : vector<6400x1024xbf16>, vector<1024x32xbf16>, vector<6400x32xf32> -> vector<6400x32xf32>
    %get3A_43 = arith.constant 0 : index
    %get3A_44 = arith.constant 0 : index
    %get3A_45 = vector.load %arg8[%get3A_43, %get3A_44] : memref<32x32xf32, #tpu.memory_space<vmem>>, vector<32x32xf32>
    %dot_general3A_46 = arith.constant dense<0.000000e+00> : vector<6400x32xf32>
    %dot_general3A_47 = tpu.matmul %concatenate3A, %get3A_45, %dot_general3A_46 {dimension_numbers = #tpu.dot_dimension_numbers<[1], [0], [0], [1], [0, 0, 1, 1], [], []>, transpose_lhs_hint = false} : vector<6400x32xf32>, vector<32x32xf32>, vector<6400x32xf32> -> vector<6400x32xf32>
    %add3A_48 = arith.addf %dot_general3A_42, %dot_general3A_47 : vector<6400x32xf32>
    %slice3A_49 = vector.extract_strided_slice %add3A_48 {offsets = [0, 0], sizes = [1600, 32], strides = [1, 1]} : vector<6400x32xf32> to vector<1600x32xf32>
    %slice3A_50 = vector.extract_strided_slice %add3A_48 {offsets = [1600, 0], sizes = [1600, 32], strides = [1, 1]} : vector<6400x32xf32> to vector<1600x32xf32>
    %slice3A_51 = vector.extract_strided_slice %add3A_48 {offsets = [3200, 0], sizes = [1600, 32], strides = [1, 1]} : vector<6400x32xf32> to vector<1600x32xf32>
    %slice3A_52 = vector.extract_strided_slice %add3A_48 {offsets = [4800, 0], sizes = [1600, 32], strides = [1, 1]} : vector<6400x32xf32> to vector<1600x32xf32>
    %concatenate3A_53 = tpu.concatenate %slice3A_49, %slice3A_50, %slice3A_51, %slice3A_52 in 1 : vector<1600x32xf32>, vector<1600x32xf32>, vector<1600x32xf32>, vector<1600x32xf32> -> vector<1600x128xf32>
    %swap3A = arith.constant 0 : index
    %swap3A_54 = arith.constant 0 : index
    %swap3A_55 = vector.load %arg10[%swap3A, %swap3A_54] : memref<1600x128xf32, #tpu.memory_space<vmem>>, vector<1600x128xf32>
    tpu.vector_store %arg10[%swap3A, %swap3A_54], %concatenate3A_53 {strides = array<i32>} : memref<1600x128xf32, #tpu.memory_space<vmem>>, vector<1600x128xf32>,
    return
  }
  func.func @transform_0(%arg0: i32) -> (i32, i32) {
    %c0_i32 = arith.constant 0 : i32
    %c0_i32_0 = arith.constant 0 : i32
    return %arg0, %c0_i32 : i32, i32
  }
  func.func @transform_1(%arg0: i32) -> (i32, i32) {
    %c0_i32 = arith.constant 0 : i32
    %c0_i32_0 = arith.constant 0 : i32
    return %arg0, %c0_i32 : i32, i32
  }
  func.func @transform_2(%arg0: i32) -> (i32, i32) {
    %c0_i32 = arith.constant 0 : i32
    %c0_i32_0 = arith.constant 0 : i32
    %c0_i32_1 = arith.constant 0 : i32
    return %c0_i32, %c0_i32_0 : i32, i32
  }
  func.func @transform_3(%arg0: i32) -> (i32, i32) {
    %c0_i32 = arith.constant 0 : i32
    %c0_i32_0 = arith.constant 0 : i32
    %c0_i32_1 = arith.constant 0 : i32
    return %c0_i32, %c0_i32_0 : i32, i32
  }
  func.func @transform_4(%arg0: i32) -> (i32, i32) {
    %c0_i32 = arith.constant 0 : i32
    %c0_i32_0 = arith.constant 0 : i32
    %c0_i32_1 = arith.constant 0 : i32
    return %c0_i32, %c0_i32_0 : i32, i32
  }
  func.func @transform_5(%arg0: i32) -> (i32, i32) {
    %c0_i32 = arith.constant 0 : i32
    %c0_i32_0 = arith.constant 0 : i32
    %c0_i32_1 = arith.constant 0 : i32
    return %c0_i32, %c0_i32_0 : i32, i32
  }
  func.func @transform_6(%arg0: i32) -> (i32, i32) {
    %c0_i32 = arith.constant 0 : i32
    %c0_i32_0 = arith.constant 0 : i32
    %c0_i32_1 = arith.constant 0 : i32
    return %c0_i32, %c0_i32_0 : i32, i32
  }
  func.func @transform_7(%arg0: i32) -> (i32, i32) {
    %c0_i32 = arith.constant 0 : i32
    %c0_i32_0 = arith.constant 0 : i32
    %c0_i32_1 = arith.constant 0 : i32
    return %c0_i32, %c0_i32_0 : i32, i32
  }
  func.func @transform_8(%arg0: i32) -> (i32, i32) {
    %c0_i32 = arith.constant 0 : i32
    %c0_i32_0 = arith.constant 0 : i32
    %c0_i32_1 = arith.constant 0 : i32
    return %c0_i32, %c0_i32_0 : i32, i32
  }
  func.func @transform_9(%arg0: i32) -> (i32, i32) {
    %c0_i32 = arith.constant 0 : i32
    %c0_i32_0 = arith.constant 0 : i32
    return %arg0, %c0_i32 : i32, i32
  }
}

module attributes {stable_mosaic.version = 14 : i64} {
  func.func @_gru_body(%arg0: memref<10000x32xf32, #tpu.memory_space<vmem>>, %arg1: memref<10000x32xf32, #tpu.memory_space<vmem>>, %arg2: memref<10000x32xf32, #tpu.memory_space<vmem>>, %arg3: memref<32x32xf32, #tpu.memory_space<vmem>>, %arg4: memref<1x32xf32, #tpu.memory_space<vmem>>, %arg5: memref<32x32xf32, #tpu.memory_space<vmem>>, %arg6: memref<1x32xf32, #tpu.memory_space<vmem>>, %arg7: memref<32x32xf32, #tpu.memory_space<vmem>>, %arg8: memref<1x32xf32, #tpu.memory_space<vmem>>, %arg9: memref<32x32xf32, #tpu.memory_space<vmem>>, %arg10: memref<1x32xf32, #tpu.memory_space<vmem>>, %arg11: memref<1x32xf32, #tpu.memory_space<vmem>>, %arg12: memref<10000x32xf32, #tpu.memory_space<vmem>>) attributes {dimension_semantics = [], scalar_prefetch = 0 : i64, scratch_operands = 0 : i64, tpu.core_type = #tpu.core_type<tc>} {
    %get3A = arith.constant 0 : index
    %get3A_0 = arith.constant 0 : index
    %get3A_1 = vector.load %arg0[%get3A, %get3A_0] : memref<10000x32xf32, #tpu.memory_space<vmem>>, vector<10000x32xf32>
    %get3A_2 = arith.constant 0 : index
    %get3A_3 = arith.constant 0 : index
    %get3A_4 = vector.load %arg1[%get3A_2, %get3A_3] : memref<10000x32xf32, #tpu.memory_space<vmem>>, vector<10000x32xf32>
    %add3A = arith.addf %get3A_1, %get3A_4 : vector<10000x32xf32>
    %get3A_5 = arith.constant 0 : index
    %get3A_6 = arith.constant 0 : index
    %get3A_7 = vector.load %arg2[%get3A_5, %get3A_6] : memref<10000x32xf32, #tpu.memory_space<vmem>>, vector<10000x32xf32>
    %get3A_8 = arith.constant 0 : index
    %get3A_9 = arith.constant 0 : index
    %get3A_10 = vector.load %arg3[%get3A_8, %get3A_9] : memref<32x32xf32, #tpu.memory_space<vmem>>, vector<32x32xf32>
    %dot_general3A = arith.constant dense<0.000000e+00> : vector<10000x32xf32>
    %dot_general3A_11 = tpu.matmul %get3A_7, %get3A_10, %dot_general3A {dimension_numbers = #tpu.dot_dimension_numbers<[1], [0], [0], [1], [0, 0, 1, 1], [], []>, transpose_lhs_hint = false} : vector<10000x32xf32>, vector<32x32xf32>, vector<10000x32xf32> -> vector<10000x32xf32>
    %add3A_12 = arith.addf %add3A, %dot_general3A_11 : vector<10000x32xf32>
    %get3A_13 = arith.constant 0 : index
    %get3A_14 = arith.constant 0 : index
    %get3A_15 = vector.load %arg4[%get3A_13, %get3A_14] : memref<1x32xf32, #tpu.memory_space<vmem>>, vector<1x32xf32>
    %add3A_16 = vector.broadcast %get3A_15 : vector<1x32xf32> to vector<10000x32xf32>
    %add3A_17 = arith.addf %add3A_12, %add3A_16 : vector<10000x32xf32>
    %get3A_18 = arith.constant 0 : index
    %get3A_19 = arith.constant 0 : index
    %get3A_20 = vector.load %arg5[%get3A_18, %get3A_19] : memref<32x32xf32, #tpu.memory_space<vmem>>, vector<32x32xf32>
    %dot_general3A_21 = arith.constant dense<0.000000e+00> : vector<10000x32xf32>
    %dot_general3A_22 = tpu.matmul %add3A_17, %get3A_20, %dot_general3A_21 {dimension_numbers = #tpu.dot_dimension_numbers<[1], [0], [0], [1], [0, 0, 1, 1], [], []>, transpose_lhs_hint = false} : vector<10000x32xf32>, vector<32x32xf32>, vector<10000x32xf32> -> vector<10000x32xf32>
    %get3A_23 = arith.constant 0 : index
    %get3A_24 = arith.constant 0 : index
    %get3A_25 = vector.load %arg6[%get3A_23, %get3A_24] : memref<1x32xf32, #tpu.memory_space<vmem>>, vector<1x32xf32>
    %add3A_26 = vector.broadcast %get3A_25 : vector<1x32xf32> to vector<10000x32xf32>
    %add3A_27 = arith.addf %dot_general3A_22, %add3A_26 : vector<10000x32xf32>
    %logistic3A = arith.negf %add3A_27 : vector<10000x32xf32>
    %logistic3A_28 = math.exp %logistic3A : vector<10000x32xf32>
    %logistic3A_29 = arith.constant 1.000000e+00 : f32
    %logistic3A_30 = vector.broadcast %logistic3A_29 : f32 to vector<10000x32xf32>
    %logistic3A_31 = arith.addf %logistic3A_30, %logistic3A_28 : vector<10000x32xf32>
    %logistic3A_32 = arith.divf %logistic3A_30, %logistic3A_31 : vector<10000x32xf32>
    %get3A_33 = arith.constant 0 : index
    %get3A_34 = arith.constant 0 : index
    %get3A_35 = vector.load %arg7[%get3A_33, %get3A_34] : memref<32x32xf32, #tpu.memory_space<vmem>>, vector<32x32xf32>
    %dot_general3A_36 = arith.constant dense<0.000000e+00> : vector<10000x32xf32>
    %dot_general3A_37 = tpu.matmul %add3A_17, %get3A_35, %dot_general3A_36 {dimension_numbers = #tpu.dot_dimension_numbers<[1], [0], [0], [1], [0, 0, 1, 1], [], []>, transpose_lhs_hint = false} : vector<10000x32xf32>, vector<32x32xf32>, vector<10000x32xf32> -> vector<10000x32xf32>
    %get3A_38 = arith.constant 0 : index
    %get3A_39 = arith.constant 0 : index
    %get3A_40 = vector.load %arg8[%get3A_38, %get3A_39] : memref<1x32xf32, #tpu.memory_space<vmem>>, vector<1x32xf32>
    %add3A_41 = vector.broadcast %get3A_40 : vector<1x32xf32> to vector<10000x32xf32>
    %add3A_42 = arith.addf %dot_general3A_37, %add3A_41 : vector<10000x32xf32>
    %logistic3A_43 = arith.negf %add3A_42 : vector<10000x32xf32>
    %logistic3A_44 = math.exp %logistic3A_43 : vector<10000x32xf32>
    %logistic3A_45 = arith.constant 1.000000e+00 : f32
    %logistic3A_46 = vector.broadcast %logistic3A_45 : f32 to vector<10000x32xf32>
    %logistic3A_47 = arith.addf %logistic3A_46, %logistic3A_44 : vector<10000x32xf32>
    %logistic3A_48 = arith.divf %logistic3A_46, %logistic3A_47 : vector<10000x32xf32>
    %get3A_49 = arith.constant 0 : index
    %get3A_50 = arith.constant 0 : index
    %get3A_51 = vector.load %arg9[%get3A_49, %get3A_50] : memref<32x32xf32, #tpu.memory_space<vmem>>, vector<32x32xf32>
    %dot_general3A_52 = arith.constant dense<0.000000e+00> : vector<10000x32xf32>
    %dot_general3A_53 = tpu.matmul %add3A_17, %get3A_51, %dot_general3A_52 {dimension_numbers = #tpu.dot_dimension_numbers<[1], [0], [0], [1], [0, 0, 1, 1], [], []>, transpose_lhs_hint = false} : vector<10000x32xf32>, vector<32x32xf32>, vector<10000x32xf32> -> vector<10000x32xf32>
    %get3A_54 = arith.constant 0 : index
    %get3A_55 = arith.constant 0 : index
    %get3A_56 = vector.load %arg10[%get3A_54, %get3A_55] : memref<1x32xf32, #tpu.memory_space<vmem>>, vector<1x32xf32>
    %add3A_57 = vector.broadcast %get3A_56 : vector<1x32xf32> to vector<10000x32xf32>
    %add3A_58 = arith.addf %dot_general3A_53, %add3A_57 : vector<10000x32xf32>
    %get3A_59 = arith.constant 0 : index
    %get3A_60 = arith.constant 0 : index
    %get3A_61 = vector.load %arg11[%get3A_59, %get3A_60] : memref<1x32xf32, #tpu.memory_space<vmem>>, vector<1x32xf32>
    %mul3A = vector.broadcast %get3A_61 : vector<1x32xf32> to vector<10000x32xf32>
    %mul3A_62 = arith.mulf %logistic3A_32, %mul3A : vector<10000x32xf32>
    %add3A_63 = arith.addf %add3A_58, %mul3A_62 : vector<10000x32xf32>
    %tanh3A = math.tanh %add3A_63 : vector<10000x32xf32>
    %sub3A = arith.constant 1.000000e+00 : f32
    %sub3A_64 = vector.broadcast %sub3A : f32 to vector<10000x32xf32>
    %sub3A_65 = arith.subf %sub3A_64, %logistic3A_48 : vector<10000x32xf32>
    %mul3A_66 = arith.mulf %sub3A_65, %tanh3A : vector<10000x32xf32>
    %swap3A = arith.constant 0 : index
    %swap3A_67 = arith.constant 0 : index
    %swap3A_68 = vector.load %arg12[%swap3A, %swap3A_67] : memref<10000x32xf32, #tpu.memory_space<vmem>>, vector<10000x32xf32>
    tpu.vector_store %arg12[%swap3A, %swap3A_67], %mul3A_66 {strides = array<i32>} : memref<10000x32xf32, #tpu.memory_space<vmem>>, vector<10000x32xf32>,
    return
  }
}

</mosaic_0001>

<sc_bundles>
// kernel: kernel.10.cloned.1.call-start
scs
__scs_entry_jumppad:
0x0: {  	(pc) =	sbr.rel $0x88, $3  }
0x1: {  	(tag) =	ssettag $0x0;
	lr =	simm.s32 $0x1  }
0x2: {  	[smem:$0x3F8D] =	sst lr;
	_ =	strace $0xD0000000  }
0x3: {  	_ = 	snop  }
0x4: {  	_ = 	snop  }
0x5: {  	_ = 	snop  }
0x6: {  	_ = 	snop  }
0x7: {  	_ = 	snop  }
__scs_overlays_trampoline_lowered:
0x8: {  	[smem:$0x3F9C] =	sst s0  }
0x9: {  	[smem:$0x3F9D] =	sst s1  }
0xa: {  	[smem:$0x3F9E] =	sst s2  }
0xb: {  	[smem:$0x3F9F] =	sst s3  }
0xc: {  	[smem:$0x3FA0] =	sst s4  }
0xd: {  	[smem:$0x3FA1] =	sst s5  }
0xe: {  	[smem:$0x3FA2] =	sst s6  }
0xf: {  	[smem:$0x3FA3] =	sst s7  }
0x10: {  	[smem:$0x3FA4] =	sst s8  }
0x11: {  	[smem:$0x3FA5] =	sst s9;
	s0 =	simm.s32 @!p0 $0x0  }
0x12: {  	s1 =	sld [smem:$0x3F8B];
	s0 =	simm.s32 @p0 $0x1  }
0x13: {  	[smem:$0x3FA6] =	sst s0;
	s0 =	simm.s32 @!p1 $0x0  }
0x14: {  	s2 =	sld [smem:$0x3F8A];
	s0 =	simm.s32 @p1 $0x1  }
0x15: {  	[smem:$0x3FA7] =	sst s0;
	s0 =	simm.s32 @!p2 $0x0  }
0x16: {  	s3 =	sld [smem:$0x3FDB];
	s0 =	simm.s32 @p2 $0x1  }
0x17: {  	s4 =	simm.s32 $0x1BF5;
	[smem:$0x3FA9] =	sst s0  }
0x18: {  	s0 =	sld [smem:$0x3F8C];
	_ =	swait.ge [sflag:s4], $0x0  }
0x19: {  	s7 =	sld [smem:$0x3F8D]  }
0x1a: {  	s8 =	sadd.s32 $0xFFFFE003, lr  }
0x1b: {  	s9 =	sadd.s32 $0xFFFFFEF7, lr;
	s5 =	simm.s32 $0xFFFFFFFF;
	p2 =	slt.u32 s8, $0xFFFFF086  }
0x1c: {  	p1 =	slt.u32 s9, $0xF7A;
	s5 =	simm.s32 @!p2 $0x0  }
0x1d: {  	s5 =	simm.s32 @p1 $0x1;
	p0 =	seq.s32 s7, s2  }
0x1e: {  	s7 =	smul.u32 @!p0 $0xF7A, s2;
	p2 =	seq.s32 @!p0 s5, $0x0  }
0x1f: {  	s9 =	smul.u32 $0xF7A, s1;
	s8 =	simm.s32 @!p0 $0x1BF5;
	p2 =	por !p2, p0  }
0x20: {  	[sflag:s8] =	ssyncset.s32 @!p0 $0xFFFFF086;
	s6 =	sadd.s32 @!p0 s3, s7;
	s7 =	simm.s32 @!p0 $0x108  }
0x21: {  	s3 =	sadd.s32 s3, s9;
	s6 =	sadd.s32 @!p0 $0x88, s6;
	s7 =	simm.s32 @p2 $0x1082  }
0x22: {  	[simem:s7], [sflag:s8] =	dma.local @!p0 [hbm:s6], $0xF7A  }
0x23: {  	s9 =	sor.u32 $0xD0000000, s2;
	s6 =	simm.s32 $0x108;
	_ =	swait.ge @!p0 [sflag:s8], $0x0  }
0x24: {  	s3 =	sadd.s32 $0x88, s3;
	s6 =	simm.s32 @!p1 $0x1082;
	[sflag:s4] =	ssyncset.s32 $0xFFFFF086  }
0x25: {  	[simem:s6], [sflag:s4] =	dma.local [hbm:s3], $0xF7A  }
0x26: {  	[smem:$0x3F8D] =	sst s1;
	(tag) =	ssettag s2;
	_ =	strace s9  }
0x27: {  	s1 =	sld [smem:$0x3F9D]  }
0x28: {  	s2 =	sld [smem:$0x3F9E]  }
0x29: {  	s4 =	sld [smem:$0x3FA0]  }
0x2a: {  	p0 =	seq.s32 s5, $0x0;
	s5 =	sld [smem:$0x3FA1]  }
0x2b: {  	s6 =	sld [smem:$0x3FA2]  }
0x2c: {  	s7 =	sld [smem:$0x3FA3]  }
0x2d: {  	s3 =	simm.s32 $0x108;
	s8 =	sld [smem:$0x3FA4]  }
0x2e: {  	s3 =	simm.s32 @!p0 $0x1082;
	s9 =	sld [smem:$0x3FA5]  }
0x2f: {  	lr =	sadd.s32 s0, s3;
	s0 =	sld [smem:$0x3F9C]  }
0x30: {  	s3 =	sld [smem:$0x3F9F]  }
0x31: {  	[smem:$0x3FA8] =	sst s10  }
0x32: {  	s10 =	sld [smem:$0x3FA6];
	_ =	sdelay $0x3  }
0x33: {  	p0 =	seq.s32 s10, $0x1;
	s10 =	sld [smem:$0x3FA8];
	_ =	sdelay $0x3  }
0x34: {  	[smem:$0x3FA8] =	sst s10  }
0x35: {  	s10 =	sld [smem:$0x3FA7];
	_ =	sdelay $0x3  }
0x36: {  	p1 =	seq.s32 s10, $0x1;
	s10 =	sld [smem:$0x3FA8];
	_ =	sdelay $0x3  }
0x37: {  	[smem:$0x3FA8] =	sst s10  }
0x38: {  	s10 =	sld [smem:$0x3FA9]  }
0x39: {  	_ = 	snop;
	(pc) =	sbr.ind lr, $3  }
0x3a: {  	_ = 	snop  }
0x3b: {  	_ = 	snop  }
0x3c: {  	p2 =	seq.s32 s10, $0x1;
	s10 =	sld [smem:$0x3FA8]  }
0x3d: {  	_ =	shalt  }
0x3e: {  	_ =	shalt  }
0x3f: {  	_ =	shalt  }
0x40: {  	_ =	shalt  }
0x41: {  	_ =	shalt  }
0x42: {  	_ =	shalt  }
0x43: {  	_ =	shalt  }
0x44: {  	_ =	shalt  }
0x45: {  	_ =	shalt  }
0x46: {  	_ =	shalt  }
0x47: {  	_ =	shalt  }
0x48: {  	_ =	shalt  }
0x49: {  	_ =	shalt  }
0x4a: {  	_ =	shalt  }
0x4b: {  	_ =	shalt  }
0x4c: {  	_ =	shalt  }
0x4d: {  	_ =	shalt  }
0x4e: {  	_ =	shalt  }
0x4f: {  	_ =	shalt  }
0x50: {  	_ =	shalt  }
0x51: {  	_ =	shalt  }
0x52: {  	_ =	shalt  }
0x53: {  	_ =	shalt  }
0x54: {  	_ =	shalt  }
0x55: {  	_ =	shalt  }
0x56: {  	_ =	shalt  }
0x57: {  	_ =	shalt  }
0x58: {  	_ =	shalt  }
0x59: {  	_ =	shalt  }
0x5a: {  	_ =	shalt  }
0x5b: {  	_ =	shalt  }
0x5c: {  	_ =	shalt  }
0x5d: {  	_ =	shalt  }
0x5e: {  	_ =	shalt  }
0x5f: {  	_ =	shalt  }
0x60: {  	_ =	shalt  }
0x61: {  	_ =	shalt  }
0x62: {  	_ =	shalt  }
0x63: {  	_ =	shalt  }
0x64: {  	_ =	shalt  }
0x65: {  	_ =	shalt  }
0x66: {  	_ =	shalt  }
0x67: {  	_ =	shalt  }
0x68: {  	_ =	shalt  }
0x69: {  	_ =	shalt  }
0x6a: {  	_ =	shalt  }
0x6b: {  	_ =	shalt  }
0x6c: {  	_ =	shalt  }
0x6d: {  	_ =	shalt  }
0x6e: {  	_ =	shalt  }
0x6f: {  	_ =	shalt  }
0x70: {  	_ =	shalt  }
0x71: {  	_ =	shalt  }
0x72: {  	_ =	shalt  }
0x73: {  	_ =	shalt  }
0x74: {  	_ =	shalt  }
0x75: {  	_ =	shalt  }
0x76: {  	_ =	shalt  }
0x77: {  	_ =	shalt  }
0x78: {  	_ =	shalt  }
0x79: {  	_ =	shalt  }
0x7a: {  	_ =	shalt  }
0x7b: {  	_ =	shalt  }
0x7c: {  	_ =	shalt  }
0x7d: {  	_ =	shalt  }
0x7e: {  	_ =	shalt  }
0x7f: {  	_ =	shalt  }
0x80: {  	_ =	shalt  }
0x81: {  	_ =	shalt  }
0x82: {  	_ =	shalt  }
0x83: {  	_ =	shalt  }
0x84: {  	_ =	shalt  }
0x85: {  	_ =	shalt  }
0x86: {  	_ =	shalt  }
0x87: {  	_ =	shalt  }
.Lfunc_end0:
.L_simem_size_0:
called_computation.1_lowered:
.L_overlay_start_0:
0x88: {  	s2 =	sld [smem:$0x3FD9]  }
0x89: {  	s3 =	sld [smem:$0x3FFE];
	_ =	sdelay $0x1  }
0x8a: {  	s1 =	srdreg.scid  }
0x8b: {  	s0 =	sand.u32 $0x1, s1  }
0x8c: {  	s16 =	sshll.u32 s0, $0xA;
	s2 =	sadd.s32 s3, s2  }
0x8d: {  	s2 =	sadd.s32 s2, s16  }
0x8e: {  	[smem:$0x3FB4] =	sst s2  }
0x8f: {  	_ = 	snop  }
0x90: {  	(tm) =	ssettm $0x1  }
0x91: {  	s17 =	sld [smem:$0x3FFB];
	_ =	sdelay $0x3  }
0x92: {  	_ =	strace s17  }
0x93: {  	s2 =	sld [smem:$0x3FFC];
	_ =	sdelay $0x3  }
0x94: {  	_ =	strace s2  }
0x95: {  	s2 =	sld [smem:$0x3FFD];
	_ =	sdelay $0x3  }
0x96: {  	_ =	strace s2  }
0x97: {  	_ =	strace $0x8FFFFFFF  }
0x98: {  	s18 =	sld [smem:$0x3FDB];
	_ =	sdelay $0x1  }
0x99: {  	s19 =	simm.s32 $_scs_section_size  }
0x9a: {  	s4 =	simm.s32 $_size__tile_overlayer_lowered;
	s5 =	simm.s32 $_tile_overlayer_lowered  }
0x9b: {  	s22 =	simm.s32 $0x1BFF;
	s21 =	sshll.u32 s5, $0x1;
	s2 =	sadd.s32 s19, s18  }
0x9c: {  	s6 =	simm.s32 $0x0;
	s20 =	sshll.u32 s4, $0x1;
	s4 =	sadd.s32 s21, s2  }
0x9d: {  	[timem:s6], [sflag:s22] =	dma.local [hbm:s4], s20  }
0x9e: {  	_ =	swait.ge [sflag:s22], s20  }
0x9f: {  	s3 =	ssub.s32 $0x0, s20;
	[sflag:s22] =	ssyncset.done $0x0  }
0xa0: {  	[sflag:s22] =	ssyncadd.s32 s3;
	_ =	sdelay $0x1  }
0xa1: {  	s23 =	simm.s32 $0x1B8B  }
0xa2: {  	_ =	swait.ge [sflag:s23], $0x1  }
0xa3: {  	[sflag:s23] =	ssyncset.done $0x0  }
0xa4: {  	s25 =	simm.s32 $0x1B8E;
	s24 =	sld [smem:$0x3FFE];
	[sflag:s23] =	ssyncadd.s32 $0xFFFFFFFF  }
0xa5: {  	s26 =	simm.s32 $execute0_lowered;
	[smem:$0x3FD2] =	sst s25  }
0xa6: {  	s4 =	sshll.u32 s26, $0x1;
	_ =	strace $0x80000049;
	[dreg:$0x1] =	wrdreg $0xFFFFFFFF  }
0xa7: {  	s28 =	simm.s32 $_size_execute0_lowered;
	s2 =	sadd.s32 s2, s4;
	[dreg:$0x0] =	wrdreg $0x0  }
0xa8: {  	s4 =	sshll.u32 s28, $0x1;
	[dreg:$0x2] =	wrdreg s2  }
0xa9: {  	[dreg:$0x3] =	wrdreg s4  }
0xaa: {  	[dreg:$0x4] =	wrdreg $0xC0  }
0xab: {  	_ =	task [dreg:s6], $0x5FFFF  }
0xac: {  	[dreg:$0x1] =	wrdreg $0xFFFFFFFF  }
0xad: {  	[dreg:$0x0] =	wrdreg $0x60  }
0xae: {  	[dreg:$0x2] =	wrdreg s24  }
0xaf: {  	[dreg:$0x3] =	wrdreg $0xD0E80  }
0xb0: {  	[dreg:$0x4] =	wrdreg $0x9  }
0xb1: {  	_ =	task.clear_ibuf [dreg:s6], $0x5FFFF;
	_ =	strace $0x90000049  }
0xb2: {  	s29 =	simm.s32 $0x9;
	_ =	strace $0x8000004B  }
0xb3: {  	_ =	swait.ge [sflag:s29], $0x1  }
0xb4: {  	[sflag:s29] =	ssyncadd.s32 $0xFFFFFFFF  }
0xb5: {  	_ =	strace $0x9000004B  }
0xb6: {  	_ =	sfence  }
0xb7: {  	s30 =	sld [smem:$0x0];
	_ =	sdelay $0x2  }
0xb8: {  	s31 =	sshll.u32 s1, $0xD;
	s1 =	sshrl.u32 s1, $0x2  }
0xb9: {  	s3 =	sand.u32 $0x4000, s31;
	s1 =	sadd.s32 s1, s30  }
0xba: {  	s0 =	sor.u32 s3, s0;
	s1 =	sshll.u32 s1, $0x11  }
0xbb: {  	s0 =	sor.u32 s1, s0  }
0xbc: {  	s0 =	sadd.s32 $0x8F2B, s0  }
0xbd: {  	[sflag:s0] =	ssyncadd.remote.s32 $0x1  }
0xbe: {  	_ =	sfence.sel $0xFFFF  }
0xbf: {  	[dreg:$0x0] =	wrdreg $0xFFFFFFFF;
	(pc) =	sbr.abs _section_cstart, $3  }
0xc0: {  	[dreg:$0x1] =	wrdreg $0xFFFFFFFF  }
0xc1: {  	_ =	task.clear_ibuf [dreg:s6], $0x2FFFF;
	_ =	strace $0x9FFFFFFF  }
0xc2: {  	(tm) =	ssettm $0x7FFFFFFF  }
0xc3: {  	_ =	shalt  }
tec
execute0_lowered:
.L_overlay_start_1:
0x0: {  	(tag) =	ssettag $0x1  }
0x1: {  	s0 =	stileid.u32  }
0x2: {  	s19 =	rddreg [dreg:$0x0];
	s20 =	smul.u32 $0x5000, s0  }
0x3: {  	s2 =	rddreg [dreg:$0x1]  }
0x4: {  	s1 =	rddreg [dreg:$0x2];
	s3 =	simm.s32 $0x0;
	s4 =	sshrl.u32 s20, $0x3  }
0x5: {  	s6 =	simm.s32 $0x80E8;
	[smem:$0x7FF] =	sst s3;
	s4 =	sadd.s32 s4, s19  }
0x6: {  	s5 =	simm.s32 $0x1;
	_ =	strace $0x8000004A;
	s4 =	sadd.s32 $0xA0200, s4  }
0x7: {  	[tilespmem:s6], [sflag:$0x1] =	stream.linear.gather [hbm4b:s4+s3], $0x5000, $0x38;
	[tilespmem:$0x120E8] =	vst v63  }
0x8: {  	s7 =	srdreg.scid;
	_ =	swait.ge [sflag:s5], $0x5000  }
0x9: {  	s21 =	sand.u32 $0x1, s7;
	s28 =	sshll.u32 s0, $0x1;
	[sflag:s5] =	ssyncset.done $0x0  }
0xa: {  	s9 =	sor.u32 s21, s28;
	s7 =	sadd.s32 s20, s2;
	[sflag:s5] =	ssyncadd.s32 $0xFFFFB000  }
0xb: {  	[spmem:s7] =	stream.linear.scatter [tilespmem:s6], [sflag:$0x1], $0x5000, $0x38;
	[tilespmem:$0x120E8] =	vst v63  }
0xc: {  	s18 =	smul.u32 $0x1388, s9;
	_ =	swait.ge [sflag:s5], $0x5000  }
0xd: {  	[sflag:s5] =	ssyncset.done $0x0  }
0xe: {  	s17 =	sadd.s32 $0x316200, s19;
	s8 =	sshrl.u32 s18, $0x3;
	[sflag:s5] =	ssyncadd.s32 $0xFFFFB000  }
0xf: {  	s8 =	sadd.s32 s17, s8;
	[bflag:$0x0] =	sbarrier.arrive $0xFFFF  }
0x10: {  	[tilespmem:s3], [sflag:$0x1] =	stream.linear.gather [hbm4b:s8+s3], $0x3E8, $0x38;
	[tilespmem:$0x120E8] =	vst v63  }
0x11: {  	s9 =	smul.u32 $0x4E20, s9;
	_ =	swait.ge [sflag:s5], $0x3E8  }
0x12: {  	s22 =	sadd.s32 $0x3E00, s19;
	[sflag:s5] =	ssyncset.done $0x0  }
0x13: {  	s10 =	simm.s32 $0x3E8;
	s9 =	sadd.s32 s22, s9;
	[sflag:s5] =	ssyncadd.s32 $0xFFFFFC18  }
0x14: {  	[tilespmem:s10], [sflag:$0x1] =	stream.linear.gather [hbm4b:s9+s3], $0x7D00, $0x38;
	[tilespmem:$0x120E8] =	vst v63  }
0x15: {  	_ =	swait.ge [sflag:s5], $0x7D00  }
0x16: {  	[sflag:s5] =	ssyncset.done $0x0  }
0x17: {  	[sflag:s5] =	ssyncadd.s32 $0xFFFF8300  }
0x18: {  	[spmem:s2] =	stream.indirect.scatter.add.f32 [tilespmem:s10], [sflag:$0x1], $0x20, s3, s10, $0xb8;
	[tilespmem:$0x120E8] =	vst v63  }
0x19: {  	s12 =	sadd.s32 $0x3E8, s18;
	_ =	swait.ge [sflag:s5], $0x7D00  }
0x1a: {  	s11 =	sshrl.u32 s12, $0x3;
	[sflag:s5] =	ssyncset.done $0x0  }
0x1b: {  	s11 =	sadd.s32 s17, s11;
	[sflag:s5] =	ssyncadd.s32 $0xFFFF8300  }
0x1c: {  	[tilespmem:s3], [sflag:$0x1] =	stream.linear.gather [hbm4b:s11+s3], $0x3E8, $0x38;
	[tilespmem:$0x120E8] =	vst v63  }
0x1d: {  	_ =	swait.ge [sflag:s5], $0x3E8  }
0x1e: {  	s12 =	sshll.u32 s12, $0x2;
	[sflag:s5] =	ssyncset.done $0x0  }
0x1f: {  	s12 =	sadd.s32 s22, s12;
	[sflag:s5] =	ssyncadd.s32 $0xFFFFFC18  }
0x20: {  	[tilespmem:s10], [sflag:$0x1] =	stream.linear.gather [hbm4b:s12+s3], $0x7D00, $0x38;
	[tilespmem:$0x120E8] =	vst v63  }
0x21: {  	_ =	swait.ge [sflag:s5], $0x7D00  }
0x22: {  	[sflag:s5] =	ssyncset.done $0x0  }
0x23: {  	[sflag:s5] =	ssyncadd.s32 $0xFFFF8300  }
0x24: {  	[spmem:s2] =	stream.indirect.scatter.add.f32 [tilespmem:s10], [sflag:$0x1], $0x20, s3, s10, $0xb8;
	[tilespmem:$0x120E8] =	vst v63  }
0x25: {  	s14 =	sadd.s32 $0x7D0, s18;
	_ =	swait.ge [sflag:s5], $0x7D00  }
0x26: {  	s13 =	sshrl.u32 s14, $0x3;
	[sflag:s5] =	ssyncset.done $0x0  }
0x27: {  	s13 =	sadd.s32 s17, s13;
	[sflag:s5] =	ssyncadd.s32 $0xFFFF8300  }
0x28: {  	[tilespmem:s3], [sflag:$0x1] =	stream.linear.gather [hbm4b:s13+s3], $0x3E8, $0x38;
	[tilespmem:$0x120E8] =	vst v63  }
0x29: {  	_ =	swait.ge [sflag:s5], $0x3E8  }
0x2a: {  	s14 =	sshll.u32 s14, $0x2;
	[sflag:s5] =	ssyncset.done $0x0  }
0x2b: {  	s14 =	sadd.s32 s22, s14;
	[sflag:s5] =	ssyncadd.s32 $0xFFFFFC18  }
0x2c: {  	[tilespmem:s10], [sflag:$0x1] =	stream.linear.gather [hbm4b:s14+s3], $0x7D00, $0x38;
	[tilespmem:$0x120E8] =	vst v63  }
0x2d: {  	_ =	swait.ge [sflag:s5], $0x7D00  }
0x2e: {  	[sflag:s5] =	ssyncset.done $0x0  }
0x2f: {  	[sflag:s5] =	ssyncadd.s32 $0xFFFF8300  }
0x30: {  	[spmem:s2] =	stream.indirect.scatter.add.f32 [tilespmem:s10], [sflag:$0x1], $0x20, s3, s10, $0xb8;
	[tilespmem:$0x120E8] =	vst v63  }
0x31: {  	s16 =	sadd.s32 $0xBB8, s18;
	_ =	swait.ge [sflag:s5], $0x7D00  }
0x32: {  	s15 =	sshrl.u32 s16, $0x3;
	[sflag:s5] =	ssyncset.done $0x0  }
0x33: {  	s15 =	sadd.s32 s17, s15;
	[sflag:s5] =	ssyncadd.s32 $0xFFFF8300  }
0x34: {  	[tilespmem:s3], [sflag:$0x1] =	stream.linear.gather [hbm4b:s15+s3], $0x3E8, $0x38;
	[tilespmem:$0x120E8] =	vst v63  }
0x35: {  	_ =	swait.ge [sflag:s5], $0x3E8  }
0x36: {  	s16 =	sshll.u32 s16, $0x2;
	[sflag:s5] =	ssyncset.done $0x0  }
0x37: {  	s16 =	sadd.s32 s22, s16;
	[sflag:s5] =	ssyncadd.s32 $0xFFFFFC18  }
0x38: {  	[tilespmem:s10], [sflag:$0x1] =	stream.linear.gather [hbm4b:s16+s3], $0x7D00, $0x38;
	[tilespmem:$0x120E8] =	vst v63  }
0x39: {  	_ =	swait.ge [sflag:s5], $0x7D00  }
0x3a: {  	[sflag:s5] =	ssyncset.done $0x0  }
0x3b: {  	[sflag:s5] =	ssyncadd.s32 $0xFFFF8300  }
0x3c: {  	[spmem:s2] =	stream.indirect.scatter.add.f32 [tilespmem:s10], [sflag:$0x1], $0x20, s3, s10, $0xb8;
	[tilespmem:$0x120E8] =	vst v63  }
0x3d: {  	s18 =	sadd.s32 $0xFA0, s18;
	_ =	swait.ge [sflag:s5], $0x7D00  }
0x3e: {  	s23 =	sshrl.u32 s18, $0x3;
	[sflag:s5] =	ssyncset.done $0x0  }
0x3f: {  	s17 =	sadd.s32 s17, s23;
	[sflag:s5] =	ssyncadd.s32 $0xFFFF8300  }
0x40: {  	[tilespmem:s3], [sflag:$0x1] =	stream.linear.gather [hbm4b:s17+s3], $0x3E8, $0x38;
	[tilespmem:$0x120E8] =	vst v63  }
0x41: {  	_ =	swait.ge [sflag:s5], $0x3E8  }
0x42: {  	s18 =	sshll.u32 s18, $0x2;
	[sflag:s5] =	ssyncset.done $0x0  }
0x43: {  	s18 =	sadd.s32 s22, s18;
	[sflag:s5] =	ssyncadd.s32 $0xFFFFFC18  }
0x44: {  	[tilespmem:s10], [sflag:$0x1] =	stream.linear.gather [hbm4b:s18+s3], $0x7D00, $0x38;
	[tilespmem:$0x120E8] =	vst v63  }
0x45: {  	_ =	swait.ge [sflag:s5], $0x7D00  }
0x46: {  	[sflag:s5] =	ssyncset.done $0x0  }
0x47: {  	s29 =	smul.u32 $0x50000, s21;
	[sflag:s5] =	ssyncadd.s32 $0xFFFF8300  }
0x48: {  	[spmem:s2] =	stream.indirect.scatter.add.f32 [tilespmem:s10], [sflag:$0x1], $0x20, s3, s10, $0xb8;
	[tilespmem:$0x120E8] =	vst v63  }
0x49: {  	s21 =	ssub.s32 $0x2, s21;
	_ =	swait.ge [sflag:s5], $0x7D00  }
0x4a: {  	s30 =	sshrl.u32 s21, $0x1;
	s20 =	sadd.s32 s20, s29;
	[sflag:s5] =	ssyncset.done $0x0  }
0x4b: {  	s31 =	ssub.s32 s21, s30;
	s20 =	sshrl.u32 s20, $0x3;
	[sflag:s5] =	ssyncadd.s32 $0xFFFF8300  }
0x4c: {  	s19 =	sadd.s32 s20, s19;
	s20 =	smax.u32 s31, $0x1;
	[bflag:$0x0] =	sbarrier.arrive $0xFFFF  }
0x4d: {  	[tilespmem:s6], [sflag:$0x1] =	stream.linear.gather [spmem:s7], $0x5000, $0x38;
	[tilespmem:$0x120E8] =	vst v63  }
0x4e: {  	p0 =	sne.s32 s20, $0x1;
	_ =	swait.ge [sflag:s5], $0x5000  }
.Ltmp0:
0x4f: {  	[sflag:s5] =	ssyncset.done $0x0;
	(pc) =	sbr.rel @!p0 .LBB2_2-.Ltmp0, $4  }
0x50: {  	s19 =	sadd.s32 $0xAA200, s19;
	[sflag:s5] =	ssyncadd.s32 $0xFFFFB000  }
0x51: {  	[hbm4b:s19+s3] =	stream.linear.scatter [tilespmem:s6], [sflag:$0x1], $0x5000, $0x38;
	[tilespmem:$0x120E8] =	vst v63  }
0x52: {  	_ =	swait.ge [sflag:s5], $0x5000  }
0x53: {  	s20 =	sadd.s32 $0xFFFFFFFF, s20;
	[sflag:s5] =	ssyncset.done $0x0  }
.LBB2_1:
0x54: {  	p0 =	sne.s32 s20, $0x1;
	s20 =	sadd.s32 $0xFFFFFFFF, s20;
	[sflag:s5] =	ssyncadd.s32 $0xFFFFB000  }
0x55: {  	[tilespmem:s6], [sflag:$0x1] =	stream.linear.gather [hbm4b:s4+s3], $0x5000, $0x38;
	[tilespmem:$0x120E8] =	vst v63  }
0x56: {  	_ =	swait.ge [sflag:s5], $0x5000  }
0x57: {  	[sflag:s5] =	ssyncset.done $0x0  }
0x58: {  	[sflag:s5] =	ssyncadd.s32 $0xFFFFB000  }
0x59: {  	[spmem:s7] =	stream.linear.scatter [tilespmem:s6], [sflag:$0x1], $0x5000, $0x38;
	[tilespmem:$0x120E8] =	vst v63  }
0x5a: {  	_ =	swait.ge [sflag:s5], $0x5000  }
0x5b: {  	[sflag:s5] =	ssyncset.done $0x0  }
0x5c: {  	[sflag:s5] =	ssyncadd.s32 $0xFFFFB000  }
0x5d: {  	[bflag:$0x0] =	sbarrier.arrive $0xFFFF  }
0x5e: {  	[tilespmem:s3], [sflag:$0x1] =	stream.linear.gather [hbm4b:s8+s3], $0x3E8, $0x38;
	[tilespmem:$0x120E8] =	vst v63  }
0x5f: {  	_ =	swait.ge [sflag:s5], $0x3E8  }
0x60: {  	[sflag:s5] =	ssyncset.done $0x0  }
0x61: {  	[sflag:s5] =	ssyncadd.s32 $0xFFFFFC18  }
0x62: {  	[tilespmem:s10], [sflag:$0x1] =	stream.linear.gather [hbm4b:s9+s3], $0x7D00, $0x38;
	[tilespmem:$0x120E8] =	vst v63  }
0x63: {  	_ =	swait.ge [sflag:s5], $0x7D00  }
0x64: {  	[sflag:s5] =	ssyncset.done $0x0  }
0x65: {  	[sflag:s5] =	ssyncadd.s32 $0xFFFF8300  }
0x66: {  	[spmem:s2] =	stream.indirect.scatter.add.f32 [tilespmem:s10], [sflag:$0x1], $0x20, s3, s10, $0xb8;
	[tilespmem:$0x120E8] =	vst v63  }
0x67: {  	_ =	swait.ge [sflag:s5], $0x7D00  }
0x68: {  	[sflag:s5] =	ssyncset.done $0x0  }
0x69: {  	[sflag:s5] =	ssyncadd.s32 $0xFFFF8300  }
0x6a: {  	[tilespmem:s3], [sflag:$0x1] =	stream.linear.gather [hbm4b:s11+s3], $0x3E8, $0x38;
	[tilespmem:$0x120E8] =	vst v63  }
0x6b: {  	_ =	swait.ge [sflag:s5], $0x3E8  }
0x6c: {  	[sflag:s5] =	ssyncset.done $0x0  }
0x6d: {  	[sflag:s5] =	ssyncadd.s32 $0xFFFFFC18  }
0x6e: {  	[tilespmem:s10], [sflag:$0x1] =	stream.linear.gather [hbm4b:s12+s3], $0x7D00, $0x38;
	[tilespmem:$0x120E8] =	vst v63  }
0x6f: {  	_ =	swait.ge [sflag:s5], $0x7D00  }
0x70: {  	[sflag:s5] =	ssyncset.done $0x0  }
0x71: {  	[sflag:s5] =	ssyncadd.s32 $0xFFFF8300  }
0x72: {  	[spmem:s2] =	stream.indirect.scatter.add.f32 [tilespmem:s10], [sflag:$0x1], $0x20, s3, s10, $0xb8;
	[tilespmem:$0x120E8] =	vst v63  }
0x73: {  	_ =	swait.ge [sflag:s5], $0x7D00  }
0x74: {  	[sflag:s5] =	ssyncset.done $0x0  }
0x75: {  	[sflag:s5] =	ssyncadd.s32 $0xFFFF8300  }
0x76: {  	[tilespmem:s3], [sflag:$0x1] =	stream.linear.gather [hbm4b:s13+s3], $0x3E8, $0x38;
	[tilespmem:$0x120E8] =	vst v63  }
0x77: {  	_ =	swait.ge [sflag:s5], $0x3E8  }
0x78: {  	[sflag:s5] =	ssyncset.done $0x0  }
0x79: {  	[sflag:s5] =	ssyncadd.s32 $0xFFFFFC18  }
0x7a: {  	[tilespmem:s10], [sflag:$0x1] =	stream.linear.gather [hbm4b:s14+s3], $0x7D00, $0x38;
	[tilespmem:$0x120E8] =	vst v63  }
0x7b: {  	_ =	swait.ge [sflag:s5], $0x7D00  }
0x7c: {  	[sflag:s5] =	ssyncset.done $0x0  }
0x7d: {  	[sflag:s5] =	ssyncadd.s32 $0xFFFF8300  }
0x7e: {  	[spmem:s2] =	stream.indirect.scatter.add.f32 [tilespmem:s10], [sflag:$0x1], $0x20, s3, s10, $0xb8;
	[tilespmem:$0x120E8] =	vst v63  }
0x7f: {  	_ =	swait.ge [sflag:s5], $0x7D00  }
0x80: {  	[sflag:s5] =	ssyncset.done $0x0  }
0x81: {  	[sflag:s5] =	ssyncadd.s32 $0xFFFF8300  }
0x82: {  	[tilespmem:s3], [sflag:$0x1] =	stream.linear.gather [hbm4b:s15+s3], $0x3E8, $0x38;
	[tilespmem:$0x120E8] =	vst v63  }
0x83: {  	_ =	swait.ge [sflag:s5], $0x3E8  }
0x84: {  	[sflag:s5] =	ssyncset.done $0x0  }
0x85: {  	[sflag:s5] =	ssyncadd.s32 $0xFFFFFC18  }
0x86: {  	[tilespmem:s10], [sflag:$0x1] =	stream.linear.gather [hbm4b:s16+s3], $0x7D00, $0x38;
	[tilespmem:$0x120E8] =	vst v63  }
0x87: {  	_ =	swait.ge [sflag:s5], $0x7D00  }
0x88: {  	[sflag:s5] =	ssyncset.done $0x0  }
0x89: {  	[sflag:s5] =	ssyncadd.s32 $0xFFFF8300  }
0x8a: {  	[spmem:s2] =	stream.indirect.scatter.add.f32 [tilespmem:s10], [sflag:$0x1], $0x20, s3, s10, $0xb8;
	[tilespmem:$0x120E8] =	vst v63  }
0x8b: {  	_ =	swait.ge [sflag:s5], $0x7D00  }
0x8c: {  	[sflag:s5] =	ssyncset.done $0x0  }
0x8d: {  	[sflag:s5] =	ssyncadd.s32 $0xFFFF8300  }
0x8e: {  	[tilespmem:s3], [sflag:$0x1] =	stream.linear.gather [hbm4b:s17+s3], $0x3E8, $0x38;
	[tilespmem:$0x120E8] =	vst v63  }
0x8f: {  	_ =	swait.ge [sflag:s5], $0x3E8  }
0x90: {  	[sflag:s5] =	ssyncset.done $0x0  }
0x91: {  	[sflag:s5] =	ssyncadd.s32 $0xFFFFFC18  }
0x92: {  	[tilespmem:s10], [sflag:$0x1] =	stream.linear.gather [hbm4b:s18+s3], $0x7D00, $0x38;
	[tilespmem:$0x120E8] =	vst v63  }
0x93: {  	_ =	swait.ge [sflag:s5], $0x7D00  }
0x94: {  	[sflag:s5] =	ssyncset.done $0x0  }
0x95: {  	[sflag:s5] =	ssyncadd.s32 $0xFFFF8300  }
0x96: {  	[spmem:s2] =	stream.indirect.scatter.add.f32 [tilespmem:s10], [sflag:$0x1], $0x20, s3, s10, $0xb8;
	[tilespmem:$0x120E8] =	vst v63  }
0x97: {  	_ =	swait.ge [sflag:s5], $0x7D00  }
0x98: {  	[sflag:s5] =	ssyncset.done $0x0  }
0x99: {  	[sflag:s5] =	ssyncadd.s32 $0xFFFF8300  }
0x9a: {  	[bflag:$0x0] =	sbarrier.arrive $0xFFFF  }
0x9b: {  	[tilespmem:s6], [sflag:$0x1] =	stream.linear.gather [spmem:s7], $0x5000, $0x38;
	[tilespmem:$0x120E8] =	vst v63  }
0x9c: {  	_ =	swait.ge [sflag:s5], $0x5000  }
.Ltmp1:
0x9d: {  	[sflag:s5] =	ssyncset.done $0x0;
	(pc) =	sbr.rel @p0 .LBB2_1-.Ltmp1, $4  }
0x9e: {  	[sflag:s5] =	ssyncadd.s32 $0xFFFFB000  }
0x9f: {  	[hbm4b:s19+s3] =	stream.linear.scatter [tilespmem:s6], [sflag:$0x1], $0x5000, $0x38;
	[tilespmem:$0x120E8] =	vst v63  }
0xa0: {  	_ =	swait.ge [sflag:s5], $0x5000  }
0xa1: {  	[sflag:s5] =	ssyncset.done $0x0  }
.LBB2_2:
0xa2: {  	[sflag:s5] =	ssyncadd.s32 $0xFFFFB000  }
0xa3: {  	_ =	sfence.sel $0x180000  }
0xa4: {  	[bflag:$0x0] =	sbarrier.arrive $0xFFFF  }
0xa5: {  	p0 =	sne.s32 s0, $0x0;
	_ =	strace $0x9000004A  }
0xa6: {  	s0 =	sadd.s32 @!p0 $0x100000, s1;
	[bflag:$0x2] =	sbarrier.arrive $0xFFFF  }
0xa7: {  	[sflag:s0] =	ssyncadd.tile.s32 @!p0 $0x1;
	_ =	shalt  }
.Lfunc_end2:
_tile_overlayer_lowered:
.L_overlay_start_2:
0xa8: {  	(tag) =	ssettag $0x2  }
0xa9: {  	s0 =	rddreg [dreg:$0x0];
	s2 =	stileid.u32  }
0xaa: {  	s1 =	rddreg [dreg:$0x1];
	p0 =	sne.s32 s2, $0x0  }
0xab: {  	s3 =	rddreg [dreg:$0x2];
	[bflag:$0x3] =	sbarrier.arrive $0xFFFF;
	s2 =	simm.s32 @!p0 $0x1C01  }
0xac: {  	[timem:s3], [sflag:s2] =	dma.local @!p0 [hbm:s0], s1  }
0xad: {  	s0 =	simm.s32 @!p0 $0x1  }
0xae: {  	_ =	swait.ge @!p0 [sflag:s0], s1  }
0xaf: {  	s1 =	ssub.s32 @!p0 $0x0, s1;
	[sflag:s0] =	ssyncset.done @!p0 $0x0  }
0xb0: {  	[sflag:s0] =	ssyncadd.s32 @!p0 s1  }
0xb1: {  	[bflag:$0x3] =	sbarrier.arrive $0xFFFF  }
0xb2: {  	_ =	shalt  }

// kernel: kernel.7.cloned.1.call-start
scs
__scs_entry_jumppad:
0x0: {  	(pc) =	sbr.rel $0x88, $3  }
0x1: {  	(tag) =	ssettag $0x0;
	lr =	simm.s32 $0x1  }
0x2: {  	[smem:$0x3F8D] =	sst lr;
	_ =	strace $0xD0000000  }
0x3: {  	_ = 	snop  }
0x4: {  	_ = 	snop  }
0x5: {  	_ = 	snop  }
0x6: {  	_ = 	snop  }
0x7: {  	_ = 	snop  }
__scs_overlays_trampoline_lowered:
0x8: {  	[smem:$0x3F9C] =	sst s0  }
0x9: {  	[smem:$0x3F9D] =	sst s1  }
0xa: {  	[smem:$0x3F9E] =	sst s2  }
0xb: {  	[smem:$0x3F9F] =	sst s3  }
0xc: {  	[smem:$0x3FA0] =	sst s4  }
0xd: {  	[smem:$0x3FA1] =	sst s5  }
0xe: {  	[smem:$0x3FA2] =	sst s6  }
0xf: {  	[smem:$0x3FA3] =	sst s7  }
0x10: {  	[smem:$0x3FA4] =	sst s8  }
0x11: {  	[smem:$0x3FA5] =	sst s9;
	s0 =	simm.s32 @!p0 $0x0  }
0x12: {  	s1 =	sld [smem:$0x3F8B];
	s0 =	simm.s32 @p0 $0x1  }
0x13: {  	[smem:$0x3FA6] =	sst s0;
	s0 =	simm.s32 @!p1 $0x0  }
0x14: {  	s2 =	sld [smem:$0x3F8A];
	s0 =	simm.s32 @p1 $0x1  }
0x15: {  	[smem:$0x3FA7] =	sst s0;
	s0 =	simm.s32 @!p2 $0x0  }
0x16: {  	s3 =	sld [smem:$0x3FDB];
	s0 =	simm.s32 @p2 $0x1  }
0x17: {  	s4 =	simm.s32 $0x1BF5;
	[smem:$0x3FA9] =	sst s0  }
0x18: {  	s0 =	sld [smem:$0x3F8C];
	_ =	swait.ge [sflag:s4], $0x0  }
0x19: {  	s7 =	sld [smem:$0x3F8D]  }
0x1a: {  	s8 =	sadd.s32 $0xFFFFE003, lr  }
0x1b: {  	s9 =	sadd.s32 $0xFFFFFEF7, lr;
	s5 =	simm.s32 $0xFFFFFFFF;
	p2 =	slt.u32 s8, $0xFFFFF086  }
0x1c: {  	p1 =	slt.u32 s9, $0xF7A;
	s5 =	simm.s32 @!p2 $0x0  }
0x1d: {  	s5 =	simm.s32 @p1 $0x1;
	p0 =	seq.s32 s7, s2  }
0x1e: {  	s7 =	smul.u32 @!p0 $0xF7A, s2;
	p2 =	seq.s32 @!p0 s5, $0x0  }
0x1f: {  	s9 =	smul.u32 $0xF7A, s1;
	s8 =	simm.s32 @!p0 $0x1BF5;
	p2 =	por !p2, p0  }
0x20: {  	[sflag:s8] =	ssyncset.s32 @!p0 $0xFFFFF086;
	s6 =	sadd.s32 @!p0 s3, s7;
	s7 =	simm.s32 @!p0 $0x108  }
0x21: {  	s3 =	sadd.s32 s3, s9;
	s6 =	sadd.s32 @!p0 $0x88, s6;
	s7 =	simm.s32 @p2 $0x1082  }
0x22: {  	[simem:s7], [sflag:s8] =	dma.local @!p0 [hbm:s6], $0xF7A  }
0x23: {  	s9 =	sor.u32 $0xD0000000, s2;
	s6 =	simm.s32 $0x108;
	_ =	swait.ge @!p0 [sflag:s8], $0x0  }
0x24: {  	s3 =	sadd.s32 $0x88, s3;
	s6 =	simm.s32 @!p1 $0x1082;
	[sflag:s4] =	ssyncset.s32 $0xFFFFF086  }
0x25: {  	[simem:s6], [sflag:s4] =	dma.local [hbm:s3], $0xF7A  }
0x26: {  	[smem:$0x3F8D] =	sst s1;
	(tag) =	ssettag s2;
	_ =	strace s9  }
0x27: {  	s1 =	sld [smem:$0x3F9D]  }
0x28: {  	s2 =	sld [smem:$0x3F9E]  }
0x29: {  	s4 =	sld [smem:$0x3FA0]  }
0x2a: {  	p0 =	seq.s32 s5, $0x0;
	s5 =	sld [smem:$0x3FA1]  }
0x2b: {  	s6 =	sld [smem:$0x3FA2]  }
0x2c: {  	s7 =	sld [smem:$0x3FA3]  }
0x2d: {  	s3 =	simm.s32 $0x108;
	s8 =	sld [smem:$0x3FA4]  }
0x2e: {  	s3 =	simm.s32 @!p0 $0x1082;
	s9 =	sld [smem:$0x3FA5]  }
0x2f: {  	lr =	sadd.s32 s0, s3;
	s0 =	sld [smem:$0x3F9C]  }
0x30: {  	s3 =	sld [smem:$0x3F9F]  }
0x31: {  	[smem:$0x3FA8] =	sst s10  }
0x32: {  	s10 =	sld [smem:$0x3FA6];
	_ =	sdelay $0x3  }
0x33: {  	p0 =	seq.s32 s10, $0x1;
	s10 =	sld [smem:$0x3FA8];
	_ =	sdelay $0x3  }
0x34: {  	[smem:$0x3FA8] =	sst s10  }
0x35: {  	s10 =	sld [smem:$0x3FA7];
	_ =	sdelay $0x3  }
0x36: {  	p1 =	seq.s32 s10, $0x1;
	s10 =	sld [smem:$0x3FA8];
	_ =	sdelay $0x3  }
0x37: {  	[smem:$0x3FA8] =	sst s10  }
0x38: {  	s10 =	sld [smem:$0x3FA9]  }
0x39: {  	_ = 	snop;
	(pc) =	sbr.ind lr, $3  }
0x3a: {  	_ = 	snop  }
0x3b: {  	_ = 	snop  }
0x3c: {  	p2 =	seq.s32 s10, $0x1;
	s10 =	sld [smem:$0x3FA8]  }
0x3d: {  	_ =	shalt  }
0x3e: {  	_ =	shalt  }
0x3f: {  	_ =	shalt  }
0x40: {  	_ =	shalt  }
0x41: {  	_ =	shalt  }
0x42: {  	_ =	shalt  }
0x43: {  	_ =	shalt  }
0x44: {  	_ =	shalt  }
0x45: {  	_ =	shalt  }
0x46: {  	_ =	shalt  }
0x47: {  	_ =	shalt  }
0x48: {  	_ =	shalt  }
0x49: {  	_ =	shalt  }
0x4a: {  	_ =	shalt  }
0x4b: {  	_ =	shalt  }
0x4c: {  	_ =	shalt  }
0x4d: {  	_ =	shalt  }
0x4e: {  	_ =	shalt  }
0x4f: {  	_ =	shalt  }
0x50: {  	_ =	shalt  }
0x51: {  	_ =	shalt  }
0x52: {  	_ =	shalt  }
0x53: {  	_ =	shalt  }
0x54: {  	_ =	shalt  }
0x55: {  	_ =	shalt  }
0x56: {  	_ =	shalt  }
0x57: {  	_ =	shalt  }
0x58: {  	_ =	shalt  }
0x59: {  	_ =	shalt  }
0x5a: {  	_ =	shalt  }
0x5b: {  	_ =	shalt  }
0x5c: {  	_ =	shalt  }
0x5d: {  	_ =	shalt  }
0x5e: {  	_ =	shalt  }
0x5f: {  	_ =	shalt  }
0x60: {  	_ =	shalt  }
0x61: {  	_ =	shalt  }
0x62: {  	_ =	shalt  }
0x63: {  	_ =	shalt  }
0x64: {  	_ =	shalt  }
0x65: {  	_ =	shalt  }
0x66: {  	_ =	shalt  }
0x67: {  	_ =	shalt  }
0x68: {  	_ =	shalt  }
0x69: {  	_ =	shalt  }
0x6a: {  	_ =	shalt  }
0x6b: {  	_ =	shalt  }
0x6c: {  	_ =	shalt  }
0x6d: {  	_ =	shalt  }
0x6e: {  	_ =	shalt  }
0x6f: {  	_ =	shalt  }
0x70: {  	_ =	shalt  }
0x71: {  	_ =	shalt  }
0x72: {  	_ =	shalt  }
0x73: {  	_ =	shalt  }
0x74: {  	_ =	shalt  }
0x75: {  	_ =	shalt  }
0x76: {  	_ =	shalt  }
0x77: {  	_ =	shalt  }
0x78: {  	_ =	shalt  }
0x79: {  	_ =	shalt  }
0x7a: {  	_ =	shalt  }
0x7b: {  	_ =	shalt  }
0x7c: {  	_ =	shalt  }
0x7d: {  	_ =	shalt  }
0x7e: {  	_ =	shalt  }
0x7f: {  	_ =	shalt  }
0x80: {  	_ =	shalt  }
0x81: {  	_ =	shalt  }
0x82: {  	_ =	shalt  }
0x83: {  	_ =	shalt  }
0x84: {  	_ =	shalt  }
0x85: {  	_ =	shalt  }
0x86: {  	_ =	shalt  }
0x87: {  	_ =	shalt  }
.Lfunc_end0:
.L_simem_size_0:
called_computation_lowered:
.L_overlay_start_0:
0x88: {  	s2 =	sld [smem:$0x3FD9]  }
0x89: {  	s3 =	sld [smem:$0x3FFE];
	_ =	sdelay $0x1  }
0x8a: {  	s1 =	srdreg.scid  }
0x8b: {  	s0 =	sand.u32 $0x1, s1  }
0x8c: {  	s17 =	sshll.u32 s0, $0xA;
	s2 =	sadd.s32 s3, s2  }
0x8d: {  	s2 =	sadd.s32 s2, s17  }
0x8e: {  	[smem:$0x3FB4] =	sst s2  }
0x8f: {  	_ = 	snop  }
0x90: {  	s2 =	sld [smem:$0x3FD0];
	(tm) =	ssettm $0x1  }
0x91: {  	s18 =	sld [smem:$0x3FFB];
	_ =	sdelay $0x3  }
0x92: {  	_ =	strace s18  }
0x93: {  	s3 =	sld [smem:$0x3FFC];
	_ =	sdelay $0x3  }
0x94: {  	_ =	strace s3  }
0x95: {  	s3 =	sld [smem:$0x3FFD];
	_ =	sdelay $0x3  }
0x96: {  	_ =	strace s3  }
0x97: {  	_ =	strace $0x8FFFFFFF  }
0x98: {  	s19 =	sld [smem:$0x3FDB];
	_ =	sdelay $0x1  }
0x99: {  	s4 =	simm.s32 $_scs_section_size  }
0x9a: {  	s5 =	simm.s32 $_size__tile_overlayer_lowered;
	s6 =	simm.s32 $_tile_overlayer_lowered  }
0x9b: {  	s22 =	simm.s32 $0x1BFF;
	s21 =	sshll.u32 s6, $0x1;
	s3 =	sadd.s32 s4, s19  }
0x9c: {  	s7 =	simm.s32 $0x0;
	s20 =	sshll.u32 s5, $0x1;
	s5 =	sadd.s32 s21, s3  }
0x9d: {  	[timem:s7], [sflag:s22] =	dma.local [hbm:s5], s20  }
0x9e: {  	_ =	swait.ge [sflag:s22], s20  }
0x9f: {  	s4 =	ssub.s32 $0x0, s20;
	[sflag:s22] =	ssyncset.done $0x0  }
0xa0: {  	[sflag:s22] =	ssyncadd.s32 s4;
	_ =	sdelay $0x1  }
0xa1: {  	s23 =	simm.s32 $0x1B8B  }
0xa2: {  	_ =	swait.ge [sflag:s23], $0x1  }
0xa3: {  	[sflag:s23] =	ssyncset.done $0x0  }
0xa4: {  	s25 =	simm.s32 $0x1B8E;
	s24 =	sld [smem:$0x3FFE];
	[sflag:s23] =	ssyncadd.s32 $0xFFFFFFFF  }
0xa5: {  	s26 =	simm.s32 $execute0_lowered;
	[smem:$0x3FD2] =	sst s25  }
0xa6: {  	s5 =	sshll.u32 s26, $0x1;
	_ =	strace $0x80000046;
	[dreg:$0x1] =	wrdreg $0xFFFFFFFF  }
0xa7: {  	s28 =	simm.s32 $_size_execute0_lowered;
	s3 =	sadd.s32 s3, s5;
	[dreg:$0x0] =	wrdreg $0x0  }
0xa8: {  	s5 =	sshll.u32 s28, $0x1;
	[dreg:$0x2] =	wrdreg s3  }
0xa9: {  	[dreg:$0x3] =	wrdreg s5  }
0xaa: {  	[dreg:$0x4] =	wrdreg $0xC0  }
0xab: {  	_ =	task [dreg:s7], $0x5FFFF  }
0xac: {  	[dreg:$0x1] =	wrdreg $0xFFFFFFFF  }
0xad: {  	[dreg:$0x0] =	wrdreg $0x60  }
0xae: {  	[dreg:$0x2] =	wrdreg s2  }
0xaf: {  	[dreg:$0x3] =	wrdreg s24  }
0xb0: {  	[dreg:$0x4] =	wrdreg $0x9  }
0xb1: {  	_ =	task.clear_ibuf [dreg:s7], $0x5FFFF;
	_ =	strace $0x90000046  }
0xb2: {  	s29 =	simm.s32 $0x9;
	_ =	strace $0x80000048  }
0xb3: {  	_ =	swait.ge [sflag:s29], $0x1  }
0xb4: {  	[sflag:s29] =	ssyncadd.s32 $0xFFFFFFFF  }
0xb5: {  	_ =	strace $0x90000048  }
0xb6: {  	_ =	sfence  }
0xb7: {  	s30 =	sld [smem:$0x0];
	_ =	sdelay $0x2  }
0xb8: {  	s31 =	sshll.u32 s1, $0xD;
	s1 =	sshrl.u32 s1, $0x2  }
0xb9: {  	s3 =	sand.u32 $0x4000, s31;
	s1 =	sadd.s32 s1, s30  }
0xba: {  	s0 =	sor.u32 s3, s0;
	s1 =	sshll.u32 s1, $0x11  }
0xbb: {  	s0 =	sor.u32 s1, s0  }
0xbc: {  	s0 =	sadd.s32 $0x8F2B, s0  }
0xbd: {  	[sflag:s0] =	ssyncadd.remote.s32 $0x1  }
0xbe: {  	_ =	sfence.sel $0xFFFF  }
0xbf: {  	[dreg:$0x0] =	wrdreg $0xFFFFFFFF;
	(pc) =	sbr.abs _section_cstart, $3  }
0xc0: {  	[dreg:$0x1] =	wrdreg $0xFFFFFFFF  }
0xc1: {  	_ =	task.clear_ibuf [dreg:s7], $0x2FFFF;
	_ =	strace $0x9FFFFFFF  }
0xc2: {  	(tm) =	ssettm $0x7FFFFFFF  }
0xc3: {  	_ =	shalt  }
tec
execute0_lowered:
.L_overlay_start_1:
0x0: {  	(tag) =	ssettag $0x1  }
0x1: {  	s1 =	srdreg.scid;
	s0 =	stileid.u32  }
0x2: {  	s16 =	sand.u32 $0x1, s1;
	s26 =	sshll.u32 s0, $0x1  }
0x3: {  	s2 =	rddreg [dreg:$0x0];
	s8 =	sor.u32 s16, s26  }
0x4: {  	s9 =	rddreg [dreg:$0x1];
	s17 =	smul.u32 $0x1388, s8  }
0x5: {  	s3 =	simm.s32 $0x0;
	s1 =	rddreg [dreg:$0x2]  }
0x6: {  	[smem:$0x7FF] =	sst s3;
	s15 =	sadd.s32 $0x3E00, s9;
	s4 =	sshrl.u32 s17, $0x3  }
0x7: {  	_ =	strace $0x80000047;
	s5 =	sadd.s32 s15, s4;
	s4 =	simm.s32 $0x2  }
0x8: {  	[tilespmem:s3], [sflag:$0x2] =	stream.linear.gather [hbm4b:s5+s3], $0x3E8, $0x38;
	[tilespmem:$0x80E8] =	vst v63  }
0x9: {  	_ =	swait.ge [sflag:s4], $0x3E8  }
0xa: {  	[sflag:s4] =	ssyncset.done $0x0  }
0xb: {  	s6 =	simm.s32 $0x3E8;
	s7 =	simm.s32 $0x1;
	[sflag:s4] =	ssyncadd.s32 $0xFFFFFC18  }
0xc: {  	[tilespmem:s6], [sflag:$0x1] =	stream.indirect.gather [hbm4b:s2+s6], $0x20, s3, s6, $0xb8;
	[tilespmem:$0x80E8] =	vst v63  }
0xd: {  	s8 =	smul.u32 $0x4E20, s8;
	_ =	swait.ge [sflag:s7], $0x7D00  }
0xe: {  	s18 =	sadd.s32 $0x8E00, s9;
	[sflag:s7] =	ssyncset.done $0x0  }
0xf: {  	s8 =	sadd.s32 s18, s8;
	[sflag:s7] =	ssyncadd.s32 $0xFFFF8300  }
0x10: {  	[hbm4b:s8+s3] =	stream.linear.scatter [tilespmem:s6], [sflag:$0x2], $0x7D00, $0x38;
	[tilespmem:$0x80E8] =	vst v63  }
0x11: {  	s10 =	sadd.s32 $0x3E8, s17;
	_ =	swait.ge [sflag:s4], $0x7D00  }
0x12: {  	s28 =	sshrl.u32 s10, $0x3;
	[sflag:s4] =	ssyncset.done $0x0  }
0x13: {  	s9 =	sadd.s32 s15, s28;
	[sflag:s4] =	ssyncadd.s32 $0xFFFF8300  }
0x14: {  	[tilespmem:s3], [sflag:$0x2] =	stream.linear.gather [hbm4b:s9+s3], $0x3E8, $0x38;
	[tilespmem:$0x80E8] =	vst v63  }
0x15: {  	_ =	swait.ge [sflag:s4], $0x3E8  }
0x16: {  	[sflag:s4] =	ssyncset.done $0x0  }
0x17: {  	[sflag:s4] =	ssyncadd.s32 $0xFFFFFC18  }
0x18: {  	[tilespmem:s6], [sflag:$0x1] =	stream.indirect.gather [hbm4b:s2+s6], $0x20, s3, s6, $0xb8;
	[tilespmem:$0x80E8] =	vst v63  }
0x19: {  	_ =	swait.ge [sflag:s7], $0x7D00  }
0x1a: {  	s10 =	sshll.u32 s10, $0x2;
	[sflag:s7] =	ssyncset.done $0x0  }
0x1b: {  	s10 =	sadd.s32 s18, s10;
	[sflag:s7] =	ssyncadd.s32 $0xFFFF8300  }
0x1c: {  	[hbm4b:s10+s3] =	stream.linear.scatter [tilespmem:s6], [sflag:$0x2], $0x7D00, $0x38;
	[tilespmem:$0x80E8] =	vst v63  }
0x1d: {  	s12 =	sadd.s32 $0x7D0, s17;
	_ =	swait.ge [sflag:s4], $0x7D00  }
0x1e: {  	s11 =	sshrl.u32 s12, $0x3;
	[sflag:s4] =	ssyncset.done $0x0  }
0x1f: {  	s11 =	sadd.s32 s15, s11;
	[sflag:s4] =	ssyncadd.s32 $0xFFFF8300  }
0x20: {  	[tilespmem:s3], [sflag:$0x2] =	stream.linear.gather [hbm4b:s11+s3], $0x3E8, $0x38;
	[tilespmem:$0x80E8] =	vst v63  }
0x21: {  	_ =	swait.ge [sflag:s4], $0x3E8  }
0x22: {  	[sflag:s4] =	ssyncset.done $0x0  }
0x23: {  	[sflag:s4] =	ssyncadd.s32 $0xFFFFFC18  }
0x24: {  	[tilespmem:s6], [sflag:$0x1] =	stream.indirect.gather [hbm4b:s2+s6], $0x20, s3, s6, $0xb8;
	[tilespmem:$0x80E8] =	vst v63  }
0x25: {  	_ =	swait.ge [sflag:s7], $0x7D00  }
0x26: {  	s12 =	sshll.u32 s12, $0x2;
	[sflag:s7] =	ssyncset.done $0x0  }
0x27: {  	s12 =	sadd.s32 s18, s12;
	[sflag:s7] =	ssyncadd.s32 $0xFFFF8300  }
0x28: {  	[hbm4b:s12+s3] =	stream.linear.scatter [tilespmem:s6], [sflag:$0x2], $0x7D00, $0x38;
	[tilespmem:$0x80E8] =	vst v63  }
0x29: {  	s14 =	sadd.s32 $0xBB8, s17;
	_ =	swait.ge [sflag:s4], $0x7D00  }
0x2a: {  	s13 =	sshrl.u32 s14, $0x3;
	[sflag:s4] =	ssyncset.done $0x0  }
0x2b: {  	s13 =	sadd.s32 s15, s13;
	[sflag:s4] =	ssyncadd.s32 $0xFFFF8300  }
0x2c: {  	[tilespmem:s3], [sflag:$0x2] =	stream.linear.gather [hbm4b:s13+s3], $0x3E8, $0x38;
	[tilespmem:$0x80E8] =	vst v63  }
0x2d: {  	_ =	swait.ge [sflag:s4], $0x3E8  }
0x2e: {  	[sflag:s4] =	ssyncset.done $0x0  }
0x2f: {  	[sflag:s4] =	ssyncadd.s32 $0xFFFFFC18  }
0x30: {  	[tilespmem:s6], [sflag:$0x1] =	stream.indirect.gather [hbm4b:s2+s6], $0x20, s3, s6, $0xb8;
	[tilespmem:$0x80E8] =	vst v63  }
0x31: {  	_ =	swait.ge [sflag:s7], $0x7D00  }
0x32: {  	s14 =	sshll.u32 s14, $0x2;
	[sflag:s7] =	ssyncset.done $0x0  }
0x33: {  	s14 =	sadd.s32 s18, s14;
	[sflag:s7] =	ssyncadd.s32 $0xFFFF8300  }
0x34: {  	[hbm4b:s14+s3] =	stream.linear.scatter [tilespmem:s6], [sflag:$0x2], $0x7D00, $0x38;
	[tilespmem:$0x80E8] =	vst v63  }
0x35: {  	s17 =	sadd.s32 $0xFA0, s17;
	_ =	swait.ge [sflag:s4], $0x7D00  }
0x36: {  	s19 =	sshrl.u32 s17, $0x3;
	[sflag:s4] =	ssyncset.done $0x0  }
0x37: {  	s16 =	ssub.s32 $0x2, s16;
	s15 =	sadd.s32 s15, s19;
	[sflag:s4] =	ssyncadd.s32 $0xFFFF8300  }
0x38: {  	[tilespmem:s3], [sflag:$0x2] =	stream.linear.gather [hbm4b:s15+s3], $0x3E8, $0x38;
	[tilespmem:$0x80E8] =	vst v63  }
0x39: {  	s29 =	sshrl.u32 s16, $0x1;
	_ =	swait.ge [sflag:s4], $0x3E8  }
0x3a: {  	s19 =	ssub.s32 s16, s29;
	[sflag:s4] =	ssyncset.done $0x0  }
0x3b: {  	s31 =	smax.u32 s19, $0x1;
	[sflag:s4] =	ssyncadd.s32 $0xFFFFFC18  }
0x3c: {  	[tilespmem:s6], [sflag:$0x1] =	stream.indirect.gather [hbm4b:s2+s6], $0x20, s3, s6, $0xb8;
	[tilespmem:$0x80E8] =	vst v63  }
0x3d: {  	p0 =	sne.s32 s31, $0x1;
	_ =	swait.ge [sflag:s7], $0x7D00  }
.Ltmp0:
0x3e: {  	s30 =	sshll.u32 s17, $0x2;
	[sflag:s7] =	ssyncset.done $0x0;
	(pc) =	sbr.rel @!p0 .LBB2_2-.Ltmp0, $4  }
0x3f: {  	s16 =	sadd.s32 s18, s30;
	[sflag:s7] =	ssyncadd.s32 $0xFFFF8300  }
0x40: {  	[hbm4b:s16+s3] =	stream.linear.scatter [tilespmem:s6], [sflag:$0x2], $0x7D00, $0x38;
	[tilespmem:$0x80E8] =	vst v63  }
0x41: {  	_ =	swait.ge [sflag:s4], $0x7D00  }
0x42: {  	s17 =	sadd.s32 $0xFFFFFFFF, s31;
	[sflag:s4] =	ssyncset.done $0x0  }
.LBB2_1:
0x43: {  	p0 =	sne.s32 s17, $0x1;
	s17 =	sadd.s32 $0xFFFFFFFF, s17;
	[sflag:s4] =	ssyncadd.s32 $0xFFFF8300  }
0x44: {  	[tilespmem:s3], [sflag:$0x2] =	stream.linear.gather [hbm4b:s5+s3], $0x3E8, $0x38;
	[tilespmem:$0x80E8] =	vst v63  }
0x45: {  	_ =	swait.ge [sflag:s4], $0x3E8  }
0x46: {  	[sflag:s4] =	ssyncset.done $0x0  }
0x47: {  	[sflag:s4] =	ssyncadd.s32 $0xFFFFFC18  }
0x48: {  	[tilespmem:s6], [sflag:$0x1] =	stream.indirect.gather [hbm4b:s2+s6], $0x20, s3, s6, $0xb8;
	[tilespmem:$0x80E8] =	vst v63  }
0x49: {  	_ =	swait.ge [sflag:s7], $0x7D00  }
0x4a: {  	[sflag:s7] =	ssyncset.done $0x0  }
0x4b: {  	[sflag:s7] =	ssyncadd.s32 $0xFFFF8300  }
0x4c: {  	[hbm4b:s8+s3] =	stream.linear.scatter [tilespmem:s6], [sflag:$0x2], $0x7D00, $0x38;
	[tilespmem:$0x80E8] =	vst v63  }
0x4d: {  	_ =	swait.ge [sflag:s4], $0x7D00  }
0x4e: {  	[sflag:s4] =	ssyncset.done $0x0  }
0x4f: {  	[sflag:s4] =	ssyncadd.s32 $0xFFFF8300  }
0x50: {  	[tilespmem:s3], [sflag:$0x2] =	stream.linear.gather [hbm4b:s9+s3], $0x3E8, $0x38;
	[tilespmem:$0x80E8] =	vst v63  }
0x51: {  	_ =	swait.ge [sflag:s4], $0x3E8  }
0x52: {  	[sflag:s4] =	ssyncset.done $0x0  }
0x53: {  	[sflag:s4] =	ssyncadd.s32 $0xFFFFFC18  }
0x54: {  	[tilespmem:s6], [sflag:$0x1] =	stream.indirect.gather [hbm4b:s2+s6], $0x20, s3, s6, $0xb8;
	[tilespmem:$0x80E8] =	vst v63  }
0x55: {  	_ =	swait.ge [sflag:s7], $0x7D00  }
0x56: {  	[sflag:s7] =	ssyncset.done $0x0  }
0x57: {  	[sflag:s7] =	ssyncadd.s32 $0xFFFF8300  }
0x58: {  	[hbm4b:s10+s3] =	stream.linear.scatter [tilespmem:s6], [sflag:$0x2], $0x7D00, $0x38;
	[tilespmem:$0x80E8] =	vst v63  }
0x59: {  	_ =	swait.ge [sflag:s4], $0x7D00  }
0x5a: {  	[sflag:s4] =	ssyncset.done $0x0  }
0x5b: {  	[sflag:s4] =	ssyncadd.s32 $0xFFFF8300  }
0x5c: {  	[tilespmem:s3], [sflag:$0x2] =	stream.linear.gather [hbm4b:s11+s3], $0x3E8, $0x38;
	[tilespmem:$0x80E8] =	vst v63  }
0x5d: {  	_ =	swait.ge [sflag:s4], $0x3E8  }
0x5e: {  	[sflag:s4] =	ssyncset.done $0x0  }
0x5f: {  	[sflag:s4] =	ssyncadd.s32 $0xFFFFFC18  }
0x60: {  	[tilespmem:s6], [sflag:$0x1] =	stream.indirect.gather [hbm4b:s2+s6], $0x20, s3, s6, $0xb8;
	[tilespmem:$0x80E8] =	vst v63  }
0x61: {  	_ =	swait.ge [sflag:s7], $0x7D00  }
0x62: {  	[sflag:s7] =	ssyncset.done $0x0  }
0x63: {  	[sflag:s7] =	ssyncadd.s32 $0xFFFF8300  }
0x64: {  	[hbm4b:s12+s3] =	stream.linear.scatter [tilespmem:s6], [sflag:$0x2], $0x7D00, $0x38;
	[tilespmem:$0x80E8] =	vst v63  }
0x65: {  	_ =	swait.ge [sflag:s4], $0x7D00  }
0x66: {  	[sflag:s4] =	ssyncset.done $0x0  }
0x67: {  	[sflag:s4] =	ssyncadd.s32 $0xFFFF8300  }
0x68: {  	[tilespmem:s3], [sflag:$0x2] =	stream.linear.gather [hbm4b:s13+s3], $0x3E8, $0x38;
	[tilespmem:$0x80E8] =	vst v63  }
0x69: {  	_ =	swait.ge [sflag:s4], $0x3E8  }
0x6a: {  	[sflag:s4] =	ssyncset.done $0x0  }
0x6b: {  	[sflag:s4] =	ssyncadd.s32 $0xFFFFFC18  }
0x6c: {  	[tilespmem:s6], [sflag:$0x1] =	stream.indirect.gather [hbm4b:s2+s6], $0x20, s3, s6, $0xb8;
	[tilespmem:$0x80E8] =	vst v63  }
0x6d: {  	_ =	swait.ge [sflag:s7], $0x7D00  }
0x6e: {  	[sflag:s7] =	ssyncset.done $0x0  }
0x6f: {  	[sflag:s7] =	ssyncadd.s32 $0xFFFF8300  }
0x70: {  	[hbm4b:s14+s3] =	stream.linear.scatter [tilespmem:s6], [sflag:$0x2], $0x7D00, $0x38;
	[tilespmem:$0x80E8] =	vst v63  }
0x71: {  	_ =	swait.ge [sflag:s4], $0x7D00  }
0x72: {  	[sflag:s4] =	ssyncset.done $0x0  }
0x73: {  	[sflag:s4] =	ssyncadd.s32 $0xFFFF8300  }
0x74: {  	[tilespmem:s3], [sflag:$0x2] =	stream.linear.gather [hbm4b:s15+s3], $0x3E8, $0x38;
	[tilespmem:$0x80E8] =	vst v63  }
0x75: {  	_ =	swait.ge [sflag:s4], $0x3E8  }
0x76: {  	[sflag:s4] =	ssyncset.done $0x0  }
0x77: {  	[sflag:s4] =	ssyncadd.s32 $0xFFFFFC18  }
0x78: {  	[tilespmem:s6], [sflag:$0x1] =	stream.indirect.gather [hbm4b:s2+s6], $0x20, s3, s6, $0xb8;
	[tilespmem:$0x80E8] =	vst v63  }
0x79: {  	_ =	swait.ge [sflag:s7], $0x7D00  }
.Ltmp1:
0x7a: {  	[sflag:s7] =	ssyncset.done $0x0;
	(pc) =	sbr.rel @p0 .LBB2_1-.Ltmp1, $4  }
0x7b: {  	[sflag:s7] =	ssyncadd.s32 $0xFFFF8300  }
0x7c: {  	[hbm4b:s16+s3] =	stream.linear.scatter [tilespmem:s6], [sflag:$0x2], $0x7D00, $0x38;
	[tilespmem:$0x80E8] =	vst v63  }
0x7d: {  	_ =	swait.ge [sflag:s4], $0x7D00  }
0x7e: {  	[sflag:s4] =	ssyncset.done $0x0  }
.LBB2_2:
0x7f: {  	[sflag:s4] =	ssyncadd.s32 $0xFFFF8300  }
0x80: {  	_ =	sfence.sel $0x180000  }
0x81: {  	[bflag:$0x0] =	sbarrier.arrive $0xFFFF  }
0x82: {  	p0 =	sne.s32 s0, $0x0;
	_ =	strace $0x90000047  }
0x83: {  	s0 =	sadd.s32 @!p0 $0x100000, s1;
	[bflag:$0x2] =	sbarrier.arrive $0xFFFF  }
0x84: {  	[sflag:s0] =	ssyncadd.tile.s32 @!p0 $0x1;
	_ =	shalt  }
.Lfunc_end2:
_tile_overlayer_lowered:
.L_overlay_start_2:
0x85: {  	(tag) =	ssettag $0x2  }
0x86: {  	s0 =	rddreg [dreg:$0x0];
	s2 =	stileid.u32  }
0x87: {  	s1 =	rddreg [dreg:$0x1];
	p0 =	sne.s32 s2, $0x0  }
0x88: {  	s3 =	rddreg [dreg:$0x2];
	[bflag:$0x3] =	sbarrier.arrive $0xFFFF;
	s2 =	simm.s32 @!p0 $0x1C02  }
0x89: {  	[timem:s3], [sflag:s2] =	dma.local @!p0 [hbm:s0], s1  }
0x8a: {  	s0 =	simm.s32 @!p0 $0x2  }
0x8b: {  	_ =	swait.ge @!p0 [sflag:s0], s1  }
0x8c: {  	s1 =	ssub.s32 @!p0 $0x0, s1;
	[sflag:s0] =	ssyncset.done @!p0 $0x0  }
0x8d: {  	[sflag:s0] =	ssyncadd.s32 @!p0 s1  }
0x8e: {  	[bflag:$0x3] =	sbarrier.arrive $0xFFFF  }
0x8f: {  	_ =	shalt  }

</sc_bundles>
